<compile_context>
chip_gen: v7x
topology: tpu7x:2x2x1
jax: 0.10.2.dev20260603
libtpu: 0.0.44.dev20260713+nightly
codegen_flags: <defaults>
</compile_context>

<pallas_src>
import functools

import jax
import jax.numpy as jnp
from jax import lax
from jax.experimental import pallas as pl
from jax.experimental.pallas import tpu as pltpu
from jax.experimental.pallas import tpu_sc as plsc

B, L, D = 2, 2048, 2048
E = 64
H = 256
K = 16
G = 64
T = B * L
TQ = T // G
NBLK = TQ * K
BPT = 4
NSLOT = NBLK + E * (BPT - 1) + 8
NT = NSLOT // BPT
MT = BPT * G
CAP = NSLOT * G

_NC, _NS = 2, 16
_NW = _NC * _NS

_GROWS = CAP // _NW
_GCH = 24
_GN = _GROWS // _GCH

def _routing(x, W_router, b_router):
    xt = x.reshape(T, D)
    logits = xt @ W_router.T + b_router
    scores = jax.nn.softmax(logits.astype(jnp.float32), axis=-1)
    order = jnp.argsort(-scores, axis=0)
    sorted_vals = jnp.take_along_axis(scores, order, axis=0)
    group_score = sorted_vals.reshape(TQ, G, E).sum(axis=1)
    _, top_idx = jax.lax.top_k(group_score.reshape(-1), NBLK)
    mask_group = (
        jnp.zeros((TQ * E,), dtype=bool).at[top_idx].set(True).reshape(TQ, E)
    )
    return order, sorted_vals, mask_group


def _dispatch_meta(order, sorted_vals, mask_group):
    n_e = mask_group.sum(axis=0).astype(jnp.int32)
    blk = jnp.nonzero(mask_group.T.reshape(-1), size=NBLK, fill_value=0)[0]
    blk = blk.astype(jnp.int32)
    e_b = blk // TQ
    q_b = blk % TQ
    npad_e = ((n_e + BPT - 1) // BPT) * BPT
    ends = jnp.cumsum(npad_e)
    offs_e = ends - npad_e
    cstart = jnp.cumsum(n_e) - n_e
    dst = offs_e[e_b] + (jnp.arange(NBLK, dtype=jnp.int32) - cstart[e_b])
    slot_q = jnp.zeros((NSLOT,), jnp.int32).at[dst].set(q_b)
    slot_valid = jnp.zeros((NSLOT,), bool).at[dst].set(True)
    tile_expert = jnp.searchsorted(
        ends, jnp.arange(0, NSLOT, BPT, dtype=jnp.int32), side="right"
    ).astype(jnp.int32)
    tile_expert = jnp.minimum(tile_expert, E - 1)
    slot_e = jnp.repeat(tile_expert, BPT)
    lane = jnp.arange(G, dtype=jnp.int32)[None, :]
    flat = slot_e[:, None] * T + slot_q[:, None] * G + lane
    ordT = order.T.reshape(-1).astype(jnp.int32)
    svT = sorted_vals.T.reshape(-1)
    varied = jnp.arange(CAP, dtype=jnp.int32).reshape(NSLOT, G) % T
    tok = jnp.where(slot_valid[:, None], ordT[flat], varied).reshape(CAP)
    gate = jnp.where(slot_valid[:, None], svT[flat], 0.0).reshape(CAP)
    return tile_expert, tok, gate


_DP = D // 2


def _sc_gather(x2, tok):
    mesh = plsc.VectorSubcoreMesh(core_axis_name="c", subcore_axis_name="s")

    @functools.partial(
        pl.kernel,
        out_type=jax.ShapeDtypeStruct((CAP, _DP), jnp.int32),
        mesh=mesh,
        scratch_types=[
            pltpu.VMEM((_GROWS,), jnp.int32),
            pltpu.VMEM((_GCH, _DP), jnp.int32),
            pltpu.VMEM((_GCH, _DP), jnp.int32),
            pltpu.SemaphoreType.DMA,
            pltpu.SemaphoreType.DMA,
            pltpu.SemaphoreType.DMA,
            pltpu.SemaphoreType.DMA,
        ],
    )
    def k(x_hbm, tok_hbm, xs_hbm, idx_v, buf0, buf1, g0, g1, w0, w1):
        wid = lax.axis_index("s") * _NC + lax.axis_index("c")
        base0 = wid * _GROWS
        pltpu.sync_copy(tok_hbm.at[pl.ds(base0, _GROWS)], idx_v)

        def gather(i, buf, sem):
            pltpu.async_copy(x_hbm.at[idx_v.at[pl.ds(i * _GCH, _GCH)]], buf, sem)

        def gwait(buf, sem):
            pltpu.make_async_copy(x_hbm.at[idx_v.at[pl.ds(0, _GCH)]], buf, sem).wait()

        def wback(i, buf, sem):
            pltpu.async_copy(buf, xs_hbm.at[pl.ds(base0 + i * _GCH, _GCH)], sem)

        def wwait(buf, sem):
            pltpu.make_async_copy(buf, xs_hbm.at[pl.ds(base0, _GCH)], sem).wait()

        gather(0, buf0, g0)
        gather(1, buf1, g1)
        gwait(buf0, g0)
        wback(0, buf0, w0)
        gwait(buf1, g1)
        wback(1, buf1, w1)

        def pair(j, _):
            i0 = 2 * j
            pltpu.make_async_copy(buf0, xs_hbm.at[pl.ds(base0, _GCH)], w0).wait()
            gather(i0, buf0, g0)
            gwait(buf0, g0)
            wback(i0, buf0, w0)
            pltpu.make_async_copy(buf1, xs_hbm.at[pl.ds(base0, _GCH)], w1).wait()
            gather(i0 + 1, buf1, g1)
            gwait(buf1, g1)
            wback(i0 + 1, buf1, w1)
            return ()

        lax.fori_loop(1, _GN // 2, pair, ())
        wwait(buf0, w0)
        wwait(buf1, w1)

    return k(x2, tok)


def _tc_body(te_ref, xs_ref, gate_ref, wgu_ref, bgu_ref, wd_ref, bd_ref, os_ref):
    xt = xs_ref.bitcast(jnp.bfloat16)[...].reshape(MT, D)
    h = jnp.dot(xt, wgu_ref[0], preferred_element_type=jnp.float32)
    h = h + bgu_ref[0]
    g = h[:, :H]
    u = h[:, H:]
    a = (g * jax.nn.sigmoid(g) * u).astype(jnp.bfloat16)
    o = jnp.dot(a, wd_ref[0], preferred_element_type=jnp.float32)
    o = o + bd_ref[0]
    gate = gate_ref[0, 0]
    os_ref[...] = o * gate[:, None]


def _tc_expert(xs_bf, gate3, tile_expert, Wgu_t, bgu, Wd_t, bd2):
    grid_spec = pltpu.PrefetchScalarGridSpec(
        num_scalar_prefetch=1,
        grid=(NT,),
        in_specs=[
            pl.BlockSpec((MT, _DP), lambda i, te: (i, 0)),
            pl.BlockSpec((1, 1, MT), lambda i, te: (i, 0, 0)),
            pl.BlockSpec((1, D, 2 * H), lambda i, te: (te[i], 0, 0)),
            pl.BlockSpec((1, 1, 2 * H), lambda i, te: (te[i], 0, 0)),
            pl.BlockSpec((1, H, D), lambda i, te: (te[i], 0, 0)),
            pl.BlockSpec((1, 1, D), lambda i, te: (te[i], 0, 0)),
        ],
        out_specs=pl.BlockSpec((MT, D), lambda i, te: (i, 0)),
    )
    return pl.pallas_call(
        _tc_body,
        grid_spec=grid_spec,
        out_shape=jax.ShapeDtypeStruct((CAP, D), jnp.float32),
        compiler_params=pltpu.CompilerParams(
            dimension_semantics=("arbitrary",),
        ),
    )(tile_expert, xs_bf, gate3, Wgu_t, bgu, Wd_t, bd2)


def kernel(x, W_router, b_router, Wg, bg, Wu, bu, Wd, bd):
    order, sorted_vals, mask_group = _routing(x, W_router, b_router)
    tile_expert, tok, gate = _dispatch_meta(order, sorted_vals, mask_group)
    denom = jnp.zeros((T,), jnp.float32).at[tok].add(gate) + 1e-6

    x_bf = x.reshape(T, D).astype(jnp.bfloat16)
    x_pack = jax.lax.bitcast_convert_type(
        jnp.stack([x_bf[:, :_DP], x_bf[:, _DP:]], axis=-1), jnp.int32
    )
    xs = _sc_gather(x_pack, tok)

    Wgu_t = (
        jnp.concatenate([Wg, Wu], axis=1).transpose(0, 2, 1).astype(jnp.bfloat16)
    )

    bgu = jnp.concatenate([bg, bu], axis=1)[:, None, :]
    Wd_t = Wd.transpose(0, 2, 1).astype(jnp.bfloat16)
    bd2 = bd[:, None, :]
    gate3 = gate.reshape(NT, 1, MT)

    os = _tc_expert(xs, gate3, tile_expert, Wgu_t, bgu, Wd_t, bd2)

    acc = jnp.zeros((T, D), jnp.float32).at[tok].add(os)
    out = acc / denom[:, None]
    return out.reshape(B, L, D).astype(x.dtype)

# --- scband reference (transcript-rebuilt; emitter-appended) ---
"""Pipeline reference for scband-mo-e-grouped-token-86414741995922 (READ-ONLY COPY).

The authoritative reference and input builder live on the scoring server;
editing this copy changes nothing except your own understanding.
"""

import jax, jax.numpy as jnp
import numpy as np

B, L, D = 2, 2048, 2048
E = 64
H = 256
K = 16
G = 64


def setup_inputs(seed: int = 0) -> dict:
    key = jax.random.key(seed)
    ks = jax.random.split(key, 8)
    x = jax.random.normal(ks[0], (B, L, D), dtype=jnp.float32)
    W_router = jax.random.normal(ks[1], (E, D), dtype=jnp.float32) * 0.02
    b_router = jnp.zeros((E,), dtype=jnp.float32)
    Wg = jax.random.normal(ks[2], (E, H, D), dtype=jnp.float32) * 0.02
    bg = jnp.zeros((E, H), dtype=jnp.float32)
    Wu = jax.random.normal(ks[3], (E, H, D), dtype=jnp.float32) * 0.02
    bu = jnp.zeros((E, H), dtype=jnp.float32)
    Wd = jax.random.normal(ks[4], (E, D, H), dtype=jnp.float32) * 0.02
    bd = jnp.zeros((E, D), dtype=jnp.float32)
    return {"x": x, "W_router": W_router, "b_router": b_router, "Wg": Wg, "bg": bg, "Wu": Wu, "bu": bu, "Wd": Wd, "bd": bd}


def _forward(x, W_router, b_router, Wg, bg, Wu, bu, Wd, bd):
    T = B * L
    xt = x.reshape(T, D)
    # router (computed in float32, matches x.float() in torch)
    logits = xt @ W_router.T + b_router
    scores = jax.nn.softmax(logits.astype(jnp.float32), axis=-1)
    # grouped-token routing: sort each expert column descending over tokens
    order = jnp.argsort(-scores, axis=0)
    sorted_vals = jnp.take_along_axis(scores, order, axis=0)
    Tq = T // G  # T % G == 0 for these shapes
    group_score = sorted_vals.reshape(Tq, G, E).sum(axis=1)
    budget = Tq * K
    _, top_idx = jax.lax.top_k(group_score.reshape(-1), budget)
    mask_group = jnp.zeros((Tq * E,), dtype=bool).at[top_idx].set(True).reshape(Tq, E)
    mask_sorted = jnp.broadcast_to(mask_group[:, None, :], (Tq, G, E)).reshape(T, E)
    # scatter mask back to original token order
    cols = jnp.broadcast_to(jnp.arange(E)[None, :], (T, E))
    mask_orig = jnp.zeros((T, E), dtype=bool).at[order, cols].set(mask_sorted)
    fs = jnp.where(mask_orig, scores, 0.0)
    fs = fs / (fs.sum(axis=-1, keepdims=True) + 1e-6)
    # expert SwiGLU MLPs; tokens with zero score contribute nothing (equivalent
    # to the torch gather-based selection, same math)
    out = jnp.zeros((T, D), dtype=x.dtype)
    for e in range(E):
        g = jax.nn.silu(xt @ Wg[e].T + bg[e])
        u = xt @ Wu[e].T + bu[e]
        o = (g * u) @ Wd[e].T + bd[e]
        out = out + fs[:, e:e + 1].astype(x.dtype) * o
    return out.reshape(B, L, D)


def reference(x, W_router, b_router, Wg, bg, Wu, bu, Wd, bd):
    return _forward(x, W_router, b_router, Wg, bg, Wu, bu, Wd, bd)

if __name__ == "__main__":
    import jax
    _d = setup_inputs()
    print(jax.jit(kernel)(*tuple(_d.values())))

</pallas_src>

<mosaic_0001>
#map = affine_map<(d0, d1) -> (0, 0)>
#map1 = affine_map<(d0, d1) -> (0)>
module attributes {stable_mosaic.version = 14 : i64} {
  func.func @k(%arg0: i32, %arg1: i32, %arg2: memref<4096x1024xi32, #tpu.memory_space<hbm>>, %arg3: memref<78336xi32, #tpu.memory_space<hbm>>, %arg4: memref<78336x1024xi32, #tpu.memory_space<hbm>>, %arg5: memref<2448xi32, #tpu.memory_space<vmem>>, %arg6: memref<24x1024xi32, #tpu.memory_space<vmem>>, %arg7: memref<24x1024xi32, #tpu.memory_space<vmem>>, %arg8: memref<!tpu.dma_semaphore, #tpu.memory_space<semaphore_mem>>, %arg9: memref<!tpu.dma_semaphore, #tpu.memory_space<semaphore_mem>>, %arg10: memref<!tpu.dma_semaphore, #tpu.memory_space<semaphore_mem>>, %arg11: memref<!tpu.dma_semaphore, #tpu.memory_space<semaphore_mem>>) attributes {dimension_semantics = [#tpu.dimension_semantics<core_parallel>, #tpu.dimension_semantics<subcore_parallel>], iteration_bounds = array<i64: 2, 16>, scalar_prefetch = 0 : i64, scratch_operands = 7 : i64, tpu.core_type = #tpu.core_type<sc_vector_subcore>, window_params = [{transform_indices = #map}, {transform_indices = #map1}, {transform_indices = #map}]} {
    %mul3A = arith.constant 2 : i32
    %mul3A_0 = arith.muli %arg1, %mul3A : i32
    %add3A = arith.addi %mul3A_0, %arg0 : i32
    %mul3A_1 = arith.constant 2448 : i32
    %mul3A_2 = arith.muli %add3A, %mul3A_1 : i32
    "tpu.region"() ({
      %run_scoped3A = tpu.sem_alloc : memref<!tpu.dma_semaphore, #tpu.memory_space<semaphore_mem>>
      %dma_start3A_45 = tpu.memref_slice %arg3[%mul3A_2] : memref<78336xi32, #tpu.memory_space<hbm>> -> memref<2448xi32, #tpu.memory_space<hbm>>
      %dma_start3A_46 = tpu.memref_slice %arg3[%mul3A_2] : memref<78336xi32, #tpu.memory_space<hbm>> -> memref<2448xi32, #tpu.memory_space<hbm>>
      tpu.enqueue_dma source(%dma_start3A_46 : memref<2448xi32, #tpu.memory_space<hbm>>) target(%arg5 : memref<2448xi32, #tpu.memory_space<vmem>>) target_semaphore(%run_scoped3A : memref<!tpu.dma_semaphore, #tpu.memory_space<semaphore_mem>>)
      %dma_wait3A_47 = tpu.memref_slice %arg3[%mul3A_2] : memref<78336xi32, #tpu.memory_space<hbm>> -> memref<2448xi32, #tpu.memory_space<hbm>>
      %dma_wait3A_48 = tpu.memref_slice %arg3[%mul3A_2] : memref<78336xi32, #tpu.memory_space<hbm>> -> memref<2448xi32, #tpu.memory_space<hbm>>
      tpu.wait_dma2 semaphore(%run_scoped3A : memref<!tpu.dma_semaphore, #tpu.memory_space<semaphore_mem>>) src(%dma_wait3A_48 : memref<2448xi32, #tpu.memory_space<hbm>>) dst(%arg5 : memref<2448xi32, #tpu.memory_space<vmem>>)
      tpu.yield
    }) : () -> ()
    %dma_start3A = arith.constant 0 : i32
    %dma_start3A_3 = tpu.memref_slice %arg5[%dma_start3A] : memref<2448xi32, #tpu.memory_space<vmem>> -> memref<24xi32, #tpu.memory_space<vmem>>
    %dma_start3A_4 = arith.constant 0 : i32
    %dma_start3A_5 = arith.constant 0 : i32
    %dma_start3A_6 = tpu.memref_slice %arg2[%dma_start3A_4, %dma_start3A_5] : memref<4096x1024xi32, #tpu.memory_space<hbm>> -> memref<4096x1024xi32, #tpu.memory_space<hbm>>
    tpu.enqueue_indirect_dma source(%dma_start3A_6 : memref<4096x1024xi32, #tpu.memory_space<hbm>>) target(%arg6 : memref<24x1024xi32, #tpu.memory_space<vmem>>) offsets(%dma_start3A_3 : memref<24xi32, #tpu.memory_space<vmem>>) semaphore(%arg8 : memref<!tpu.dma_semaphore, #tpu.memory_space<semaphore_mem>>)
    %dma_start3A_7 = arith.constant 24 : i32
    %dma_start3A_8 = tpu.memref_slice %arg5[%dma_start3A_7] : memref<2448xi32, #tpu.memory_space<vmem>> -> memref<24xi32, #tpu.memory_space<vmem>>
    %dma_start3A_9 = arith.constant 0 : i32
    %dma_start3A_10 = arith.constant 0 : i32
    %dma_start3A_11 = tpu.memref_slice %arg2[%dma_start3A_9, %dma_start3A_10] : memref<4096x1024xi32, #tpu.memory_space<hbm>> -> memref<4096x1024xi32, #tpu.memory_space<hbm>>
    tpu.enqueue_indirect_dma source(%dma_start3A_11 : memref<4096x1024xi32, #tpu.memory_space<hbm>>) target(%arg7 : memref<24x1024xi32, #tpu.memory_space<vmem>>) offsets(%dma_start3A_8 : memref<24xi32, #tpu.memory_space<vmem>>) semaphore(%arg9 : memref<!tpu.dma_semaphore, #tpu.memory_space<semaphore_mem>>)
    %dma_wait3A = arith.constant 0 : i32
    %dma_wait3A_12 = tpu.memref_slice %arg5[%dma_wait3A] : memref<2448xi32, #tpu.memory_space<vmem>> -> memref<24xi32, #tpu.memory_space<vmem>>
    %dma_wait3A_13 = arith.constant 0 : i32
    %dma_wait3A_14 = arith.constant 0 : i32
    %dma_wait3A_15 = tpu.memref_slice %arg2[%dma_wait3A_13, %dma_wait3A_14] : memref<4096x1024xi32, #tpu.memory_space<hbm>> -> memref<4096x1024xi32, #tpu.memory_space<hbm>>
    tpu.wait_indirect_dma semaphore(%arg8 : memref<!tpu.dma_semaphore, #tpu.memory_space<semaphore_mem>>) src(%dma_wait3A_15 : memref<4096x1024xi32, #tpu.memory_space<hbm>>) dst(%arg6 : memref<24x1024xi32, #tpu.memory_space<vmem>>)
    %add3A_16 = arith.constant 0 : i32
    %add3A_17 = arith.addi %mul3A_2, %add3A_16 : i32
    %dma_start3A_18 = arith.constant 0 : i32
    %dma_start3A_19 = tpu.memref_slice %arg4[%add3A_17, %dma_start3A_18] : memref<78336x1024xi32, #tpu.memory_space<hbm>> -> memref<24x1024xi32, #tpu.memory_space<hbm>>
    %dma_start3A_20 = arith.constant 0 : i32
    %dma_start3A_21 = tpu.memref_slice %arg4[%add3A_17, %dma_start3A_20] : memref<78336x1024xi32, #tpu.memory_space<hbm>> -> memref<24x1024xi32, #tpu.memory_space<hbm>>
    tpu.enqueue_dma source(%arg6 : memref<24x1024xi32, #tpu.memory_space<vmem>>) target(%dma_start3A_21 : memref<24x1024xi32, #tpu.memory_space<hbm>>) target_semaphore(%arg10 : memref<!tpu.dma_semaphore, #tpu.memory_space<semaphore_mem>>)
    %dma_wait3A_22 = arith.constant 0 : i32
    %dma_wait3A_23 = tpu.memref_slice %arg5[%dma_wait3A_22] : memref<2448xi32, #tpu.memory_space<vmem>> -> memref<24xi32, #tpu.memory_space<vmem>>
    %dma_wait3A_24 = arith.constant 0 : i32
    %dma_wait3A_25 = arith.constant 0 : i32
    %dma_wait3A_26 = tpu.memref_slice %arg2[%dma_wait3A_24, %dma_wait3A_25] : memref<4096x1024xi32, #tpu.memory_space<hbm>> -> memref<4096x1024xi32, #tpu.memory_space<hbm>>
    tpu.wait_indirect_dma semaphore(%arg9 : memref<!tpu.dma_semaphore, #tpu.memory_space<semaphore_mem>>) src(%dma_wait3A_26 : memref<4096x1024xi32, #tpu.memory_space<hbm>>) dst(%arg7 : memref<24x1024xi32, #tpu.memory_space<vmem>>)
    %add3A_27 = arith.constant 24 : i32
    %add3A_28 = arith.addi %mul3A_2, %add3A_27 : i32
    %dma_start3A_29 = arith.constant 0 : i32
    %dma_start3A_30 = tpu.memref_slice %arg4[%add3A_28, %dma_start3A_29] : memref<78336x1024xi32, #tpu.memory_space<hbm>> -> memref<24x1024xi32, #tpu.memory_space<hbm>>
    %dma_start3A_31 = arith.constant 0 : i32
    %dma_start3A_32 = tpu.memref_slice %arg4[%add3A_28, %dma_start3A_31] : memref<78336x1024xi32, #tpu.memory_space<hbm>> -> memref<24x1024xi32, #tpu.memory_space<hbm>>
    tpu.enqueue_dma source(%arg7 : memref<24x1024xi32, #tpu.memory_space<vmem>>) target(%dma_start3A_32 : memref<24x1024xi32, #tpu.memory_space<hbm>>) target_semaphore(%arg11 : memref<!tpu.dma_semaphore, #tpu.memory_space<semaphore_mem>>)
    %scan3A = arith.constant 1 : i32
    %scan3A_33 = arith.constant 50 : i32
    %scan3A_34 = arith.addi %scan3A, %scan3A_33 : i32
    %scan3A_35 = arith.constant 1 : i32
    scf.for %scan3A_45 = %scan3A to %scan3A_34 step %scan3A_35  : i32 {
      %mul3A_46 = arith.constant 2 : i32
      %mul3A_47 = arith.muli %mul3A_46, %scan3A_45 : i32
      %dma_wait3A_48 = arith.constant 0 : i32
      %dma_wait3A_49 = tpu.memref_slice %arg4[%mul3A_2, %dma_wait3A_48] : memref<78336x1024xi32, #tpu.memory_space<hbm>> -> memref<24x1024xi32, #tpu.memory_space<hbm>>
      %dma_wait3A_50 = arith.constant 0 : i32
      %dma_wait3A_51 = tpu.memref_slice %arg4[%mul3A_2, %dma_wait3A_50] : memref<78336x1024xi32, #tpu.memory_space<hbm>> -> memref<24x1024xi32, #tpu.memory_space<hbm>>
      tpu.wait_dma2 semaphore(%arg10 : memref<!tpu.dma_semaphore, #tpu.memory_space<semaphore_mem>>) src(%arg6 : memref<24x1024xi32, #tpu.memory_space<vmem>>) dst(%dma_wait3A_51 : memref<24x1024xi32, #tpu.memory_space<hbm>>)
      %mul3A_52 = arith.constant 24 : i32
      %mul3A_53 = arith.muli %mul3A_47, %mul3A_52 : i32
      %dma_start3A_54 = tpu.memref_slice %arg5[%mul3A_53] : memref<2448xi32, #tpu.memory_space<vmem>> -> memref<24xi32, #tpu.memory_space<vmem>>
      %dma_start3A_55 = arith.constant 0 : i32
      %dma_start3A_56 = arith.constant 0 : i32
      %dma_start3A_57 = tpu.memref_slice %arg2[%dma_start3A_55, %dma_start3A_56] : memref<4096x1024xi32, #tpu.memory_space<hbm>> -> memref<4096x1024xi32, #tpu.memory_space<hbm>>
      tpu.enqueue_indirect_dma source(%dma_start3A_57 : memref<4096x1024xi32, #tpu.memory_space<hbm>>) target(%arg6 : memref<24x1024xi32, #tpu.memory_space<vmem>>) offsets(%dma_start3A_54 : memref<24xi32, #tpu.memory_space<vmem>>) semaphore(%arg8 : memref<!tpu.dma_semaphore, #tpu.memory_space<semaphore_mem>>)
      %dma_wait3A_58 = arith.constant 0 : i32
      %dma_wait3A_59 = tpu.memref_slice %arg5[%dma_wait3A_58] : memref<2448xi32, #tpu.memory_space<vmem>> -> memref<24xi32, #tpu.memory_space<vmem>>
      %dma_wait3A_60 = arith.constant 0 : i32
      %dma_wait3A_61 = arith.constant 0 : i32
      %dma_wait3A_62 = tpu.memref_slice %arg2[%dma_wait3A_60, %dma_wait3A_61] : memref<4096x1024xi32, #tpu.memory_space<hbm>> -> memref<4096x1024xi32, #tpu.memory_space<hbm>>
      tpu.wait_indirect_dma semaphore(%arg8 : memref<!tpu.dma_semaphore, #tpu.memory_space<semaphore_mem>>) src(%dma_wait3A_62 : memref<4096x1024xi32, #tpu.memory_space<hbm>>) dst(%arg6 : memref<24x1024xi32, #tpu.memory_space<vmem>>)
      %mul3A_63 = arith.constant 24 : i32
      %mul3A_64 = arith.muli %mul3A_47, %mul3A_63 : i32
      %add3A_65 = arith.addi %mul3A_2, %mul3A_64 : i32
      %dma_start3A_66 = arith.constant 0 : i32
      %dma_start3A_67 = tpu.memref_slice %arg4[%add3A_65, %dma_start3A_66] : memref<78336x1024xi32, #tpu.memory_space<hbm>> -> memref<24x1024xi32, #tpu.memory_space<hbm>>
      %dma_start3A_68 = arith.constant 0 : i32
      %dma_start3A_69 = tpu.memref_slice %arg4[%add3A_65, %dma_start3A_68] : memref<78336x1024xi32, #tpu.memory_space<hbm>> -> memref<24x1024xi32, #tpu.memory_space<hbm>>
      tpu.enqueue_dma source(%arg6 : memref<24x1024xi32, #tpu.memory_space<vmem>>) target(%dma_start3A_69 : memref<24x1024xi32, #tpu.memory_space<hbm>>) target_semaphore(%arg10 : memref<!tpu.dma_semaphore, #tpu.memory_space<semaphore_mem>>)
      %dma_wait3A_70 = arith.constant 0 : i32
      %dma_wait3A_71 = tpu.memref_slice %arg4[%mul3A_2, %dma_wait3A_70] : memref<78336x1024xi32, #tpu.memory_space<hbm>> -> memref<24x1024xi32, #tpu.memory_space<hbm>>
      %dma_wait3A_72 = arith.constant 0 : i32
      %dma_wait3A_73 = tpu.memref_slice %arg4[%mul3A_2, %dma_wait3A_72] : memref<78336x1024xi32, #tpu.memory_space<hbm>> -> memref<24x1024xi32, #tpu.memory_space<hbm>>
      tpu.wait_dma2 semaphore(%arg11 : memref<!tpu.dma_semaphore, #tpu.memory_space<semaphore_mem>>) src(%arg7 : memref<24x1024xi32, #tpu.memory_space<vmem>>) dst(%dma_wait3A_73 : memref<24x1024xi32, #tpu.memory_space<hbm>>)
      %add3A_74 = arith.constant 1 : i32
      %add3A_75 = arith.addi %mul3A_47, %add3A_74 : i32
      %mul3A_76 = arith.constant 24 : i32
      %mul3A_77 = arith.muli %add3A_75, %mul3A_76 : i32
      %dma_start3A_78 = tpu.memref_slice %arg5[%mul3A_77] : memref<2448xi32, #tpu.memory_space<vmem>> -> memref<24xi32, #tpu.memory_space<vmem>>
      %dma_start3A_79 = arith.constant 0 : i32
      %dma_start3A_80 = arith.constant 0 : i32
      %dma_start3A_81 = tpu.memref_slice %arg2[%dma_start3A_79, %dma_start3A_80] : memref<4096x1024xi32, #tpu.memory_space<hbm>> -> memref<4096x1024xi32, #tpu.memory_space<hbm>>
      tpu.enqueue_indirect_dma source(%dma_start3A_81 : memref<4096x1024xi32, #tpu.memory_space<hbm>>) target(%arg7 : memref<24x1024xi32, #tpu.memory_space<vmem>>) offsets(%dma_start3A_78 : memref<24xi32, #tpu.memory_space<vmem>>) semaphore(%arg9 : memref<!tpu.dma_semaphore, #tpu.memory_space<semaphore_mem>>)
      %dma_wait3A_82 = arith.constant 0 : i32
      %dma_wait3A_83 = tpu.memref_slice %arg5[%dma_wait3A_82] : memref<2448xi32, #tpu.memory_space<vmem>> -> memref<24xi32, #tpu.memory_space<vmem>>
      %dma_wait3A_84 = arith.constant 0 : i32
      %dma_wait3A_85 = arith.constant 0 : i32
      %dma_wait3A_86 = tpu.memref_slice %arg2[%dma_wait3A_84, %dma_wait3A_85] : memref<4096x1024xi32, #tpu.memory_space<hbm>> -> memref<4096x1024xi32, #tpu.memory_space<hbm>>
      tpu.wait_indirect_dma semaphore(%arg9 : memref<!tpu.dma_semaphore, #tpu.memory_space<semaphore_mem>>) src(%dma_wait3A_86 : memref<4096x1024xi32, #tpu.memory_space<hbm>>) dst(%arg7 : memref<24x1024xi32, #tpu.memory_space<vmem>>)
      %add3A_87 = arith.constant 1 : i32
      %add3A_88 = arith.addi %mul3A_47, %add3A_87 : i32
      %mul3A_89 = arith.constant 24 : i32
      %mul3A_90 = arith.muli %add3A_88, %mul3A_89 : i32
      %add3A_91 = arith.addi %mul3A_2, %mul3A_90 : i32
      %dma_start3A_92 = arith.constant 0 : i32
      %dma_start3A_93 = tpu.memref_slice %arg4[%add3A_91, %dma_start3A_92] : memref<78336x1024xi32, #tpu.memory_space<hbm>> -> memref<24x1024xi32, #tpu.memory_space<hbm>>
      %dma_start3A_94 = arith.constant 0 : i32
      %dma_start3A_95 = tpu.memref_slice %arg4[%add3A_91, %dma_start3A_94] : memref<78336x1024xi32, #tpu.memory_space<hbm>> -> memref<24x1024xi32, #tpu.memory_space<hbm>>
      tpu.enqueue_dma source(%arg7 : memref<24x1024xi32, #tpu.memory_space<vmem>>) target(%dma_start3A_95 : memref<24x1024xi32, #tpu.memory_space<hbm>>) target_semaphore(%arg11 : memref<!tpu.dma_semaphore, #tpu.memory_space<semaphore_mem>>)
    }
    %scan3A_36 = arith.constant 50 : i32
    %dma_wait3A_37 = arith.constant 0 : i32
    %dma_wait3A_38 = tpu.memref_slice %arg4[%mul3A_2, %dma_wait3A_37] : memref<78336x1024xi32, #tpu.memory_space<hbm>> -> memref<24x1024xi32, #tpu.memory_space<hbm>>
    %dma_wait3A_39 = arith.constant 0 : i32
    %dma_wait3A_40 = tpu.memref_slice %arg4[%mul3A_2, %dma_wait3A_39] : memref<78336x1024xi32, #tpu.memory_space<hbm>> -> memref<24x1024xi32, #tpu.memory_space<hbm>>
    tpu.wait_dma2 semaphore(%arg10 : memref<!tpu.dma_semaphore, #tpu.memory_space<semaphore_mem>>) src(%arg6 : memref<24x1024xi32, #tpu.memory_space<vmem>>) dst(%dma_wait3A_40 : memref<24x1024xi32, #tpu.memory_space<hbm>>)
    %dma_wait3A_41 = arith.constant 0 : i32
    %dma_wait3A_42 = tpu.memref_slice %arg4[%mul3A_2, %dma_wait3A_41] : memref<78336x1024xi32, #tpu.memory_space<hbm>> -> memref<24x1024xi32, #tpu.memory_space<hbm>>
    %dma_wait3A_43 = arith.constant 0 : i32
    %dma_wait3A_44 = tpu.memref_slice %arg4[%mul3A_2, %dma_wait3A_43] : memref<78336x1024xi32, #tpu.memory_space<hbm>> -> memref<24x1024xi32, #tpu.memory_space<hbm>>
    tpu.wait_dma2 semaphore(%arg11 : memref<!tpu.dma_semaphore, #tpu.memory_space<semaphore_mem>>) src(%arg7 : memref<24x1024xi32, #tpu.memory_space<vmem>>) dst(%dma_wait3A_44 : memref<24x1024xi32, #tpu.memory_space<hbm>>)
    return
  }
}

module attributes {stable_mosaic.version = 14 : i64} {
  func.func @_tc_body(%arg0: i32, %arg1: memref<306xi32, #tpu.memory_space<smem>>, %arg2: memref<256x1024xi32, #tpu.memory_space<vmem>>, %arg3: memref<1x1x256xf32, #tpu.memory_space<vmem>>, %arg4: memref<1x2048x512xbf16, #tpu.memory_space<vmem>>, %arg5: memref<1x1x512xf32, #tpu.memory_space<vmem>>, %arg6: memref<1x256x2048xbf16, #tpu.memory_space<vmem>>, %arg7: memref<1x1x2048xf32, #tpu.memory_space<vmem>>, %arg8: memref<256x2048xf32, #tpu.memory_space<vmem>>) attributes {dimension_semantics = [#tpu.dimension_semantics<arbitrary>], iteration_bounds = array<i64: 306>, scalar_prefetch = 1 : i64, scratch_operands = 0 : i64, tpu.core_type = #tpu.core_type<tc>, window_params = [{transform_indices = @transform_0, window_bounds = array<i64: 256, 1024>}, {transform_indices = @transform_1, window_bounds = array<i64: 1, 1, 256>}, {transform_indices = @transform_2, window_bounds = array<i64: 1, 2048, 512>}, {transform_indices = @transform_3, window_bounds = array<i64: 1, 1, 512>}, {transform_indices = @transform_4, window_bounds = array<i64: 1, 256, 2048>}, {transform_indices = @transform_5, window_bounds = array<i64: 1, 1, 2048>}, {transform_indices = @transform_6, window_bounds = array<i64: 256, 2048>}]} {
    %get3A = tpu.memref_bitcast %arg2 : memref<256x1024xi32, #tpu.memory_space<vmem>> -> memref<512x1024xbf16, #tpu.memory_space<vmem>>
    %get3A_0 = arith.constant 0 : index
    %get3A_1 = arith.constant 0 : index
    %get3A_2 = vector.load %get3A[%get3A_0, %get3A_1] : memref<512x1024xbf16, #tpu.memory_space<vmem>>, vector<512x1024xbf16>
    %reshape3A = vector.shape_cast %get3A_2 : vector<512x1024xbf16> to vector<256x2048xbf16>
    %get3A_3 = arith.constant 0 : index
    %get3A_4 = arith.constant 0 : index
    %get3A_5 = arith.constant 0 : index
    %get3A_6 = vector.load %arg4[%get3A_3, %get3A_4, %get3A_5] : memref<1x2048x512xbf16, #tpu.memory_space<vmem>>, vector<1x2048x512xbf16>
    %get3A_7 = vector.shape_cast %get3A_6 : vector<1x2048x512xbf16> to vector<2048x512xbf16>
    %dot_general3A = arith.constant dense<0.000000e+00> : vector<256x512xf32>
    %dot_general3A_8 = tpu.matmul %reshape3A, %get3A_7, %dot_general3A {dimension_numbers = #tpu.dot_dimension_numbers<[1], [0], [0], [1], [0, 0, 1, 1], [], []>, transpose_lhs_hint = false} : vector<256x2048xbf16>, vector<2048x512xbf16>, vector<256x512xf32> -> vector<256x512xf32>
    %get3A_9 = arith.constant 0 : index
    %get3A_10 = arith.constant 0 : index
    %get3A_11 = arith.constant 0 : index
    %get3A_12 = vector.load %arg5[%get3A_9, %get3A_10, %get3A_11] : memref<1x1x512xf32, #tpu.memory_space<vmem>>, vector<1x1x512xf32>
    %get3A_13 = vector.shape_cast %get3A_12 : vector<1x1x512xf32> to vector<1x512xf32>
    %add3A = vector.broadcast %get3A_13 : vector<1x512xf32> to vector<256x512xf32>
    %add3A_14 = arith.addf %dot_general3A_8, %add3A : vector<256x512xf32>
    %slice3A = vector.extract_strided_slice %add3A_14 {offsets = [0, 0], sizes = [256, 256], strides = [1, 1]} : vector<256x512xf32> to vector<256x256xf32>
    %slice3A_15 = vector.extract_strided_slice %add3A_14 {offsets = [0, 256], sizes = [256, 256], strides = [1, 1]} : vector<256x512xf32> to vector<256x256xf32>
    %logistic3A = arith.negf %slice3A : vector<256x256xf32>
    %logistic3A_16 = math.exp %logistic3A : vector<256x256xf32>
    %logistic3A_17 = arith.constant 1.000000e+00 : f32
    %logistic3A_18 = vector.broadcast %logistic3A_17 : f32 to vector<256x256xf32>
    %logistic3A_19 = arith.addf %logistic3A_18, %logistic3A_16 : vector<256x256xf32>
    %logistic3A_20 = arith.divf %logistic3A_18, %logistic3A_19 : vector<256x256xf32>
    %mul3A = arith.mulf %slice3A, %logistic3A_20 : vector<256x256xf32>
    %mul3A_21 = arith.mulf %mul3A, %slice3A_15 : vector<256x256xf32>
    %convert_element_type3A = arith.truncf %mul3A_21 : vector<256x256xf32> to vector<256x256xbf16>
    %get3A_22 = arith.constant 0 : index
    %get3A_23 = arith.constant 0 : index
    %get3A_24 = arith.constant 0 : index
    %get3A_25 = vector.load %arg6[%get3A_22, %get3A_23, %get3A_24] : memref<1x256x2048xbf16, #tpu.memory_space<vmem>>, vector<1x256x2048xbf16>
    %get3A_26 = vector.shape_cast %get3A_25 : vector<1x256x2048xbf16> to vector<256x2048xbf16>
    %dot_general3A_27 = arith.constant dense<0.000000e+00> : vector<256x2048xf32>
    %dot_general3A_28 = tpu.matmul %convert_element_type3A, %get3A_26, %dot_general3A_27 {dimension_numbers = #tpu.dot_dimension_numbers<[1], [0], [0], [1], [0, 0, 1, 1], [], []>, transpose_lhs_hint = false} : vector<256x256xbf16>, vector<256x2048xbf16>, vector<256x2048xf32> -> vector<256x2048xf32>
    %get3A_29 = arith.constant 0 : index
    %get3A_30 = arith.constant 0 : index
    %get3A_31 = arith.constant 0 : index
    %get3A_32 = vector.load %arg7[%get3A_29, %get3A_30, %get3A_31] : memref<1x1x2048xf32, #tpu.memory_space<vmem>>, vector<1x1x2048xf32>
    %get3A_33 = vector.shape_cast %get3A_32 : vector<1x1x2048xf32> to vector<1x2048xf32>
    %add3A_34 = vector.broadcast %get3A_33 : vector<1x2048xf32> to vector<256x2048xf32>
    %add3A_35 = arith.addf %dot_general3A_28, %add3A_34 : vector<256x2048xf32>
    %get3A_36 = arith.constant 0 : index
    %get3A_37 = arith.constant 0 : index
    %get3A_38 = arith.constant 0 : index
    %get3A_39 = vector.load %arg3[%get3A_36, %get3A_37, %get3A_38] : memref<1x1x256xf32, #tpu.memory_space<vmem>>, vector<1x1x256xf32>
    %get3A_40 = vector.shape_cast %get3A_39 : vector<1x1x256xf32> to vector<256xf32>
    %broadcast_in_dim3A = vector.shape_cast %get3A_40 : vector<256xf32> to vector<256x1xf32>
    %mul3A_41 = vector.broadcast %broadcast_in_dim3A : vector<256x1xf32> to vector<256x2048xf32>
    %mul3A_42 = arith.mulf %add3A_35, %mul3A_41 : vector<256x2048xf32>
    %swap3A = arith.constant 0 : index
    %swap3A_43 = arith.constant 0 : index
    %swap3A_44 = vector.load %arg8[%swap3A, %swap3A_43] : memref<256x2048xf32, #tpu.memory_space<vmem>>, vector<256x2048xf32>
    tpu.vector_store %arg8[%swap3A, %swap3A_43], %mul3A_42 {strides = array<i32>} : memref<256x2048xf32, #tpu.memory_space<vmem>>, vector<256x2048xf32>,
    return
  }
  func.func @transform_0(%arg0: i32, %arg1: memref<306xi32, #tpu.memory_space<smem>>) -> (i32, i32) {
    %c0_i32 = arith.constant 0 : i32
    %c0_i32_0 = arith.constant 0 : i32
    return %arg0, %c0_i32 : i32, i32
  }
  func.func @transform_1(%arg0: i32, %arg1: memref<306xi32, #tpu.memory_space<smem>>) -> (i32, i32, i32) {
    %c0_i32 = arith.constant 0 : i32
    %c0_i32_0 = arith.constant 0 : i32
    %c0_i32_1 = arith.constant 0 : i32
    return %arg0, %c0_i32, %c0_i32_0 : i32, i32, i32
  }
  func.func @transform_2(%arg0: i32, %arg1: memref<306xi32, #tpu.memory_space<smem>>) -> (i32, i32, i32) {
    %get3A = arith.index_cast %arg0 : i32 to index
    %get3A_0 = memref.load %arg1[%get3A] : memref<306xi32, #tpu.memory_space<smem>>
    %c0_i32 = arith.constant 0 : i32
    %c0_i32_1 = arith.constant 0 : i32
    %c0_i32_2 = arith.constant 0 : i32
    return %get3A_0, %c0_i32, %c0_i32_1 : i32, i32, i32
  }
  func.func @transform_3(%arg0: i32, %arg1: memref<306xi32, #tpu.memory_space<smem>>) -> (i32, i32, i32) {
    %get3A = arith.index_cast %arg0 : i32 to index
    %get3A_0 = memref.load %arg1[%get3A] : memref<306xi32, #tpu.memory_space<smem>>
    %c0_i32 = arith.constant 0 : i32
    %c0_i32_1 = arith.constant 0 : i32
    %c0_i32_2 = arith.constant 0 : i32
    return %get3A_0, %c0_i32, %c0_i32_1 : i32, i32, i32
  }
  func.func @transform_4(%arg0: i32, %arg1: memref<306xi32, #tpu.memory_space<smem>>) -> (i32, i32, i32) {
    %get3A = arith.index_cast %arg0 : i32 to index
    %get3A_0 = memref.load %arg1[%get3A] : memref<306xi32, #tpu.memory_space<smem>>
    %c0_i32 = arith.constant 0 : i32
    %c0_i32_1 = arith.constant 0 : i32
    %c0_i32_2 = arith.constant 0 : i32
    return %get3A_0, %c0_i32, %c0_i32_1 : i32, i32, i32
  }
  func.func @transform_5(%arg0: i32, %arg1: memref<306xi32, #tpu.memory_space<smem>>) -> (i32, i32, i32) {
    %get3A = arith.index_cast %arg0 : i32 to index
    %get3A_0 = memref.load %arg1[%get3A] : memref<306xi32, #tpu.memory_space<smem>>
    %c0_i32 = arith.constant 0 : i32
    %c0_i32_1 = arith.constant 0 : i32
    %c0_i32_2 = arith.constant 0 : i32
    return %get3A_0, %c0_i32, %c0_i32_1 : i32, i32, i32
  }
  func.func @transform_6(%arg0: i32, %arg1: memref<306xi32, #tpu.memory_space<smem>>) -> (i32, i32) {
    %c0_i32 = arith.constant 0 : i32
    %c0_i32_0 = arith.constant 0 : i32
    return %arg0, %c0_i32 : i32, i32
  }
}

</mosaic_0001>

<sc_bundles>
// kernel: gather_offload_async_start.1
scs
__scs_entry_jumppad:
0x0: {  	(pc) =	sbr.rel $0x88, $3  }
0x1: {  	(tag) =	ssettag $0x0;
	lr =	simm.s32 $0x1  }
0x2: {  	[smem:$0x3F98] =	sst lr;
	_ =	strace $0xD0000000  }
0x3: {  	_ = 	snop  }
0x4: {  	_ = 	snop  }
0x5: {  	_ = 	snop  }
0x6: {  	_ = 	snop  }
0x7: {  	_ = 	snop  }
__scs_overlays_trampoline_lowered:
0x8: {  	[smem:$0x3FA7] =	sst s0  }
0x9: {  	[smem:$0x3FA8] =	sst s1  }
0xa: {  	[smem:$0x3FA9] =	sst s2  }
0xb: {  	[smem:$0x3FAA] =	sst s3  }
0xc: {  	[smem:$0x3FAB] =	sst s4  }
0xd: {  	[smem:$0x3FAC] =	sst s5  }
0xe: {  	[smem:$0x3FAD] =	sst s6  }
0xf: {  	[smem:$0x3FAE] =	sst s7  }
0x10: {  	[smem:$0x3FAF] =	sst s8  }
0x11: {  	[smem:$0x3FB0] =	sst s9;
	s0 =	simm.s32 @!p0 $0x0  }
0x12: {  	s1 =	sld [smem:$0x3F96];
	s0 =	simm.s32 @p0 $0x1  }
0x13: {  	[smem:$0x3FB1] =	sst s0;
	s0 =	simm.s32 @!p1 $0x0  }
0x14: {  	s2 =	sld [smem:$0x3F95];
	s0 =	simm.s32 @p1 $0x1  }
0x15: {  	[smem:$0x3FB2] =	sst s0;
	s0 =	simm.s32 @!p2 $0x0  }
0x16: {  	s3 =	sld [smem:$0x3FDB];
	s0 =	simm.s32 @p2 $0x1  }
0x17: {  	s4 =	simm.s32 $0x1BF5;
	[smem:$0x3FB4] =	sst s0  }
0x18: {  	s0 =	sld [smem:$0x3F97];
	_ =	swait.ge [sflag:s4], $0x0  }
0x19: {  	s7 =	sld [smem:$0x3F98]  }
0x1a: {  	s8 =	sadd.s32 $0xFFFFE003, lr  }
0x1b: {  	s9 =	sadd.s32 $0xFFFFFEF7, lr;
	s5 =	simm.s32 $0xFFFFFFFF;
	p2 =	slt.u32 s8, $0xFFFFF086  }
0x1c: {  	p1 =	slt.u32 s9, $0xF7A;
	s5 =	simm.s32 @!p2 $0x0  }
0x1d: {  	s5 =	simm.s32 @p1 $0x1;
	p0 =	seq.s32 s7, s2  }
0x1e: {  	s7 =	smul.u32 @!p0 $0xF7A, s2;
	p2 =	seq.s32 @!p0 s5, $0x0  }
0x1f: {  	s9 =	smul.u32 $0xF7A, s1;
	s8 =	simm.s32 @!p0 $0x1BF5;
	p2 =	por !p2, p0  }
0x20: {  	[sflag:s8] =	ssyncset.s32 @!p0 $0xFFFFF086;
	s6 =	sadd.s32 @!p0 s3, s7;
	s7 =	simm.s32 @!p0 $0x108  }
0x21: {  	s3 =	sadd.s32 s3, s9;
	s6 =	sadd.s32 @!p0 $0x88, s6;
	s7 =	simm.s32 @p2 $0x1082  }
0x22: {  	[simem:s7], [sflag:s8] =	dma.local @!p0 [hbm:s6], $0xF7A  }
0x23: {  	s9 =	sor.u32 $0xD0000000, s2;
	s6 =	simm.s32 $0x108;
	_ =	swait.ge @!p0 [sflag:s8], $0x0  }
0x24: {  	s3 =	sadd.s32 $0x88, s3;
	s6 =	simm.s32 @!p1 $0x1082;
	[sflag:s4] =	ssyncset.s32 $0xFFFFF086  }
0x25: {  	[simem:s6], [sflag:s4] =	dma.local [hbm:s3], $0xF7A  }
0x26: {  	[smem:$0x3F98] =	sst s1;
	(tag) =	ssettag s2;
	_ =	strace s9  }
0x27: {  	s1 =	sld [smem:$0x3FA8]  }
0x28: {  	s2 =	sld [smem:$0x3FA9]  }
0x29: {  	s4 =	sld [smem:$0x3FAB]  }
0x2a: {  	p0 =	seq.s32 s5, $0x0;
	s5 =	sld [smem:$0x3FAC]  }
0x2b: {  	s6 =	sld [smem:$0x3FAD]  }
0x2c: {  	s7 =	sld [smem:$0x3FAE]  }
0x2d: {  	s3 =	simm.s32 $0x108;
	s8 =	sld [smem:$0x3FAF]  }
0x2e: {  	s3 =	simm.s32 @!p0 $0x1082;
	s9 =	sld [smem:$0x3FB0]  }
0x2f: {  	lr =	sadd.s32 s0, s3;
	s0 =	sld [smem:$0x3FA7]  }
0x30: {  	s3 =	sld [smem:$0x3FAA]  }
0x31: {  	[smem:$0x3FB3] =	sst s10  }
0x32: {  	s10 =	sld [smem:$0x3FB1];
	_ =	sdelay $0x3  }
0x33: {  	p0 =	seq.s32 s10, $0x1;
	s10 =	sld [smem:$0x3FB3];
	_ =	sdelay $0x3  }
0x34: {  	[smem:$0x3FB3] =	sst s10  }
0x35: {  	s10 =	sld [smem:$0x3FB2];
	_ =	sdelay $0x3  }
0x36: {  	p1 =	seq.s32 s10, $0x1;
	s10 =	sld [smem:$0x3FB3];
	_ =	sdelay $0x3  }
0x37: {  	[smem:$0x3FB3] =	sst s10  }
0x38: {  	s10 =	sld [smem:$0x3FB4]  }
0x39: {  	_ = 	snop;
	(pc) =	sbr.ind lr, $3  }
0x3a: {  	_ = 	snop  }
0x3b: {  	_ = 	snop  }
0x3c: {  	p2 =	seq.s32 s10, $0x1;
	s10 =	sld [smem:$0x3FB3]  }
0x3d: {  	_ =	shalt  }
0x3e: {  	_ =	shalt  }
0x3f: {  	_ =	shalt  }
0x40: {  	_ =	shalt  }
0x41: {  	_ =	shalt  }
0x42: {  	_ =	shalt  }
0x43: {  	_ =	shalt  }
0x44: {  	_ =	shalt  }
0x45: {  	_ =	shalt  }
0x46: {  	_ =	shalt  }
0x47: {  	_ =	shalt  }
0x48: {  	_ =	shalt  }
0x49: {  	_ =	shalt  }
0x4a: {  	_ =	shalt  }
0x4b: {  	_ =	shalt  }
0x4c: {  	_ =	shalt  }
0x4d: {  	_ =	shalt  }
0x4e: {  	_ =	shalt  }
0x4f: {  	_ =	shalt  }
0x50: {  	_ =	shalt  }
0x51: {  	_ =	shalt  }
0x52: {  	_ =	shalt  }
0x53: {  	_ =	shalt  }
0x54: {  	_ =	shalt  }
0x55: {  	_ =	shalt  }
0x56: {  	_ =	shalt  }
0x57: {  	_ =	shalt  }
0x58: {  	_ =	shalt  }
0x59: {  	_ =	shalt  }
0x5a: {  	_ =	shalt  }
0x5b: {  	_ =	shalt  }
0x5c: {  	_ =	shalt  }
0x5d: {  	_ =	shalt  }
0x5e: {  	_ =	shalt  }
0x5f: {  	_ =	shalt  }
0x60: {  	_ =	shalt  }
0x61: {  	_ =	shalt  }
0x62: {  	_ =	shalt  }
0x63: {  	_ =	shalt  }
0x64: {  	_ =	shalt  }
0x65: {  	_ =	shalt  }
0x66: {  	_ =	shalt  }
0x67: {  	_ =	shalt  }
0x68: {  	_ =	shalt  }
0x69: {  	_ =	shalt  }
0x6a: {  	_ =	shalt  }
0x6b: {  	_ =	shalt  }
0x6c: {  	_ =	shalt  }
0x6d: {  	_ =	shalt  }
0x6e: {  	_ =	shalt  }
0x6f: {  	_ =	shalt  }
0x70: {  	_ =	shalt  }
0x71: {  	_ =	shalt  }
0x72: {  	_ =	shalt  }
0x73: {  	_ =	shalt  }
0x74: {  	_ =	shalt  }
0x75: {  	_ =	shalt  }
0x76: {  	_ =	shalt  }
0x77: {  	_ =	shalt  }
0x78: {  	_ =	shalt  }
0x79: {  	_ =	shalt  }
0x7a: {  	_ =	shalt  }
0x7b: {  	_ =	shalt  }
0x7c: {  	_ =	shalt  }
0x7d: {  	_ =	shalt  }
0x7e: {  	_ =	shalt  }
0x7f: {  	_ =	shalt  }
0x80: {  	_ =	shalt  }
0x81: {  	_ =	shalt  }
0x82: {  	_ =	shalt  }
0x83: {  	_ =	shalt  }
0x84: {  	_ =	shalt  }
0x85: {  	_ =	shalt  }
0x86: {  	_ =	shalt  }
0x87: {  	_ =	shalt  }
.Lfunc_end0:
.L_simem_size_0:
called_computation.3_lowered:
.L_overlay_start_0:
0x88: {  	s2 =	sld [smem:$0x3FD9]  }
0x89: {  	s3 =	sld [smem:$0x3FFE];
	_ =	sdelay $0x1  }
0x8a: {  	s1 =	srdreg.scid  }
0x8b: {  	s0 =	sand.u32 $0x1, s1  }
0x8c: {  	s17 =	sshll.u32 s0, $0xA;
	s2 =	sadd.s32 s3, s2  }
0x8d: {  	s2 =	sadd.s32 s2, s17  }
0x8e: {  	[smem:$0x3FBF] =	sst s2  }
0x8f: {  	_ = 	snop  }
0x90: {  	(tm) =	ssettm $0x1  }
0x91: {  	s18 =	sld [smem:$0x3FFB];
	_ =	sdelay $0x3  }
0x92: {  	_ =	strace s18  }
0x93: {  	s2 =	sld [smem:$0x3FFC];
	_ =	sdelay $0x3  }
0x94: {  	_ =	strace s2  }
0x95: {  	s2 =	sld [smem:$0x3FFD];
	_ =	sdelay $0x3  }
0x96: {  	_ =	strace s2  }
0x97: {  	_ =	strace $0x8FFFFFFF  }
0x98: {  	s19 =	sld [smem:$0x3FDB];
	_ =	sdelay $0x1  }
0x99: {  	s20 =	simm.s32 $_scs_section_size  }
0x9a: {  	s4 =	simm.s32 $_size__tile_overlayer_lowered;
	s5 =	simm.s32 $_tile_overlayer_lowered  }
0x9b: {  	s6 =	simm.s32 $0x1BFF;
	s21 =	sshll.u32 s5, $0x1;
	s3 =	sadd.s32 s20, s19  }
0x9c: {  	s22 =	simm.s32 $0x0;
	s4 =	sshll.u32 s4, $0x1;
	s5 =	sadd.s32 s21, s3  }
0x9d: {  	[timem:s22], [sflag:s6] =	dma.local [hbm:s5], s4  }
0x9e: {  	_ =	swait.ge [sflag:s6], s4  }
0x9f: {  	s4 =	ssub.s32 $0x0, s4;
	[sflag:s6] =	ssyncset.done $0x0  }
0xa0: {  	[sflag:s6] =	ssyncadd.s32 s4;
	_ =	sdelay $0x1  }
0xa1: {  	s23 =	simm.s32 $0x1B8B  }
0xa2: {  	_ =	swait.ge [sflag:s23], $0x1  }
0xa3: {  	[sflag:s23] =	ssyncset.done $0x0  }
0xa4: {  	[sflag:s23] =	ssyncadd.s32 $0xFFFFFFFF  }
0xa5: {  	s4 =	sld [smem:$0x0]  }
0xa6: {  	s5 =	sand.u32 $0xFFFFFFFE, s1  }
0xa7: {  	p0 =	sne.s32 s1, s5  }
0xa8: {  	s5 =	sshll.u32 @p0 s5, $0xE  }
0xa9: {  	s5 =	sadd.s32 @p0 $0x11B8D, s5;
	s6 =	sshll.u32 @p0 s4, $0x11  }
0xaa: {  	s5 =	sor.u32 @p0 s6, s5  }
0xab: {  	[sflag:s5] =	ssyncadd.remote.s32 @p0 $0x1;
	_ =	sdelay $0x1  }
0xac: {  	s5 =	simm.s32 @p0 $0x1B8D  }
0xad: {  	_ =	swait.eq @p0 [sflag:s5], $0x1  }
0xae: {  	[sflag:s5] =	ssyncadd.s32 @p0 $0xFFFFFFFF  }
0xaf: {  	s6 =	sshll.u32 @!p0 s1, $0xE  }
0xb0: {  	s6 =	sor.u32 @!p0 $0x4000, s6;
	s5 =	simm.s32 @!p0 $0x1B8D  }
0xb1: {  	s4 =	sshll.u32 @!p0 s4, $0x11;
	s6 =	sadd.s32 @!p0 $0x11B8D, s6;
	_ =	swait.eq @!p0 [sflag:s5], $0x1  }
0xb2: {  	s4 =	sor.u32 @!p0 s4, s6;
	[sflag:s5] =	ssyncadd.s32 @!p0 $0xFFFFFFFF  }
0xb3: {  	s25 =	simm.s32 $0x1B8E;
	s24 =	sld [smem:$0x3FFE];
	[sflag:s4] =	ssyncadd.remote.s32 @!p0 $0x1  }
0xb4: {  	s26 =	simm.s32 $execute0_lowered;
	[smem:$0x3FD2] =	sst s25  }
0xb5: {  	s5 =	sshll.u32 s26, $0x1;
	_ =	strace $0x8000004F;
	[dreg:$0x1] =	wrdreg $0xFFFFFFFF  }
0xb6: {  	s28 =	simm.s32 $_size_execute0_lowered;
	s3 =	sadd.s32 s3, s5;
	[dreg:$0x0] =	wrdreg $0x0  }
0xb7: {  	s5 =	sshll.u32 s28, $0x1;
	[dreg:$0x2] =	wrdreg s3  }
0xb8: {  	[dreg:$0x3] =	wrdreg s5  }
0xb9: {  	[dreg:$0x4] =	wrdreg $0xC0  }
0xba: {  	_ =	task [dreg:s22], $0x5FFFF  }
0xbb: {  	[dreg:$0x1] =	wrdreg $0xFFFFFFFF  }
0xbc: {  	[dreg:$0x0] =	wrdreg $0x60  }
0xbd: {  	[dreg:$0x2] =	wrdreg s24  }
0xbe: {  	[dreg:$0x3] =	wrdreg $0x9  }
0xbf: {  	_ =	task.clear_ibuf [dreg:s22], $0x4FFFF;
	_ =	strace $0x9000004F  }
0xc0: {  	s29 =	simm.s32 $0x9;
	_ =	strace $0x80000051  }
0xc1: {  	_ =	swait.ge [sflag:s29], $0x1  }
0xc2: {  	[sflag:s29] =	ssyncadd.s32 $0xFFFFFFFF  }
0xc3: {  	_ =	strace $0x90000051  }
0xc4: {  	_ =	sfence  }
0xc5: {  	s30 =	sld [smem:$0x0];
	_ =	sdelay $0x2  }
0xc6: {  	s31 =	sshll.u32 s1, $0xD;
	s1 =	sshrl.u32 s1, $0x2  }
0xc7: {  	s4 =	sand.u32 $0x4000, s31;
	s1 =	sadd.s32 s1, s30  }
0xc8: {  	s0 =	sor.u32 s4, s0;
	s1 =	sshll.u32 s1, $0x11  }
0xc9: {  	s0 =	sor.u32 s1, s0  }
0xca: {  	s0 =	sadd.s32 $0x8F2B, s0  }
0xcb: {  	[sflag:s0] =	ssyncadd.remote.s32 $0x1  }
0xcc: {  	_ =	sfence.sel $0xFFFF  }
0xcd: {  	[dreg:$0x0] =	wrdreg $0xFFFFFFFF;
	(pc) =	sbr.abs _section_cstart, $3  }
0xce: {  	[dreg:$0x1] =	wrdreg $0xFFFFFFFF  }
0xcf: {  	_ =	task.clear_ibuf [dreg:s22], $0x2FFFF;
	_ =	strace $0x9FFFFFFF  }
0xd0: {  	(tm) =	ssettm $0x7FFFFFFF  }
0xd1: {  	_ =	shalt  }
tec
execute0_lowered:
.L_overlay_start_1:
0x0: {  	(tag) =	ssettag $0x1  }
0x1: {  	s8 =	rddreg [dreg:$0x0];
	s1 =	stileid.u32  }
0x2: {  	s2 =	srdreg.scid;
	s0 =	rddreg [dreg:$0x1]  }
0x3: {  	_ =	strace $0x80000050;
	s5 =	simm.s32 $0x1;
	s9 =	simm.s32 $0x1  }
0x4: {  	s10 =	simm.s32 $0x3;
	s2 =	sand.u32 $0x1, s2;
	s3 =	sshll.u32 s1, $0x1  }
0x5: {  	s13 =	simm.s32 $0x0;
	s12 =	simm.s32 $0x0;
	s6 =	sor.u32 s3, s2  }
0x6: {  	[sflag:s5] =	ssyncpa.u1 $0x0;
	s2 =	sadd.s32 $0x1FE00, s8;
	s4 =	smul.u32 $0x900, s6  }
0x7: {  	s3 =	sadd.s32 $0x9A00, s8;
	p0 =	slt.u32 s6, $0x3;
	s6 =	simm.s32 $0x12000  }
.Ltmp0:
0x8: {  	s6 =	simm.s32 @!p0 $0x0;
	s7 =	ssub.s32 $0x13200, s4;
	(pc) =	sbr.rel .LBB2_1-.Ltmp0, $4  }
0x9: {  	s9 =	simm.s32 @!p0 $0x0;
	p0 =	sne.s32 s7, s6;
	s7 =	simm.s32 $0x1  }
0xa: {  	s8 =	sadd.s32 $0xEA00, s8;
	s6 =	simm.s32 $0x2;
	s7 =	simm.s32 @!p0 $0x0  }
0xb: {  	s11 =	smov.u32 s4;
	[sflag:s6] =	ssyncpa.u1 $0x0;
	s7 =	sadd.s32 s9, s7  }
0xc: {  	vm0 =	vmmov $0xffff;
	[sflag:s10] =	ssyncpa.u1 $0x0;
	s10 =	simm.s32 $0x0;
	s9 =	sadd.s32 $0x1, s7  }
.LBB2_4:
0xd: {  	v2 =	vnsel vm1, $0x0, v2  }
0xe: {  	vm1 =	vgt.s32 v0, $0x0;
	v2 =	vmin.u32 v2, $0x3FFFF  }
0xf: {  	v0 =	vnsel vm1, $0x0, v0  }
0x10: {  	v0 =	vmin.u32 v0, $0x3FFFF  }
0x11: {  	[tilespmem:s18], [sflag:$0x1] =	stream.indirect_vreg.gather [hbm4b:s2+s10], $0x1, v1, vm0, $0x4038;
	[tilespmem:$0x2400] =	vst v63  }
0x12: {  	(ifvalue) =	ssetifvalue $0x7FFFFFFF  }
0x13: {  	[tilespmem:s15], [sflag:$0x1] =	stream.indirect_vreg.gather [hbm4b:s2+s10], $0x1, v2, vm0, $0x4038;
	[tilespmem:$0x2400] =	vst v63  }
0x14: {  	s29 =	sadd.s32 $0x10, s15;
	(ifvalue) =	ssetifvalue $0x7FFFFFFF  }
0x15: {  	[tilespmem:s29], [sflag:$0x1] =	stream.indirect_vreg.gather [hbm4b:s2+s10], $0x1, v0, vm0, $0x4038;
	[tilespmem:$0x2400] =	vst v63  }
0x16: {  	_ =	swait.ge [sflag:s5], $0x900  }
0x17: {  	s30 =	sshrl.u32 s13, $0x3;
	[sflag:s5] =	ssyncset.done $0x0  }
0x18: {  	s31 =	sand.u32 $0x7, s13;
	s15 =	sadd.s32 s8, s30;
	[sflag:s5] =	ssyncadd.s32 $0xFFFFF700  }
0x19: {  	[hbm4b:s15+s31] =	stream.linear.scatter [tilespmem:s14], [sflag:$0x3], $0x900, $0x38;
	[tilespmem:$0x2400] =	vst v63  }
.LBB2_5:
0x1a: {  	s15 =	sadd.s32 $0x12000, s11  }
0x1b: {  	p1 =	sgt.s32 s15, $0x131FF  }
0x1c: {  	s15 =	smov.u32 @p1 s4;
	p1 =	sne.s32 s12, s9  }
.Ltmp1:
0x1d: {  	p0 =	slt.u32 s12, $0x2;
	(pc) =	sbr.rel @!p1 .LBB2_6-.Ltmp1, $4  }
0x1e: {  	s14 =	simm.s32 @!p0 $0x3  }
0x1f: {  	_ =	swait.ge @!p0 [sflag:s14], $0x900  }
0x20: {  	s16 =	sadd.s32 $0x1, s12;
	s13 =	smov.u32 s11;
	[sflag:s14] =	ssyncset.done @!p0 $0x0  }
0x21: {  	s12 =	smov.u32 s16;
	s11 =	smov.u32 s15;
	[sflag:s14] =	ssyncadd.s32 @!p0 $0xFFFFF700  }
.LBB2_1:
0x22: {  	p0 =	sge.u32 s12, s7  }
0x23: {  	s14 =	sxor.u32 @!p0 $0x1, s12  }
0x24: {  	s14 =	smul.u32 @!p0 $0x2400, s14  }
0x25: {  	s31 =	sadd.s32 $0xFFFFFFFF, s12;
	s15 =	sshrl.u32 @!p0 s11, $0x3  }
0x26: {  	s16 =	sand.u32 @!p0 $0x7, s11;
	s15 =	sadd.s32 @!p0 s3, s15;
	s14 =	sshra.s32 @!p0 s14, $0x2  }
0x27: {  	[tilespmem:s14], [sflag:$0x2] =	stream.linear.gather @!p0 [hbm4b:s15+s16], $0x900, $0x38;
	[tilespmem:$0x2400] =	vst v63  }
0x28: {  	p0 =	sge.u32 s31, s7  }
.Ltmp2:
0x29: {  	_ = 	snop;
	(pc) =	sbr.rel @p0 .LBB2_5-.Ltmp2, $1  }
0x2a: {  	_ =	sdelay $0x3  }
0x2b: {  	s14 =	sand.u32 $0x1, s12  }
0x2c: {  	_ =	swait.ge [sflag:s6], $0x900;
	p0 =	seq.s32 s14, $0x1;
	s14 =	simm.s32 $0x900  }
0x2d: {  	[sflag:s6] =	ssyncset.done $0x0;
	s14 =	simm.s32 @!p0 $0x0  }
0x2e: {  	[sflag:s6] =	ssyncadd.s32 $0xFFFFF700;
	(ifvalue) =	ssetifvalue $0x7FFFFFFF;
	v0 =	vld.msk [tilespmem:s14+$0x0 ss:$0x1], $0xffff;
	_ =	sdelay $0x4  }
0x2f: {  	s15 =	sadd.s32 $0x10, s14;
	vm1 =	vgt.s32 v0, $0x0  }
0x30: {  	v2 =	vld.msk [tilespmem:s15+$0x0 ss:$0x1], $0xffff;
	v1 =	vnsel vm1, $0x0, v0  }
0x31: {  	v1 =	vmin.u32 v1, $0x3FFFF;
	_ =	sdelay $0x2  }
0x32: {  	s17 =	simm.s32 $0x20;
	s14 =	sor.u32 $0x1200, s14;
	s16 =	sadd.s32 $0x10, s15  }
0x33: {  	s15 =	sadd.s32 $0x10, s14;
	s18 =	smov.u32 s14;
	v0 =	vld.msk [tilespmem:s16+$0x0 ss:$0x1], $0xffff;
	vm1 =	vgt.s32 v2, $0x0;
	(ifvalue) =	ssetifvalue $0x7FFFFFFF  }
.LBB2_3:
0x34: {  	[tilespmem:s18], [sflag:$0x1] =	stream.indirect_vreg.gather [hbm4b:s2+s10], $0x1, v1, vm0, $0x4038;
	[tilespmem:$0x2400] =	vst v63  }
0x35: {  	s17 =	sadd.s32 $0x10, s17  }
0x36: {  	v2 =	vnsel vm1, $0x0, v2;
	p0 =	slt.u32 s17, $0x8F0  }
.Ltmp3:
0x37: {  	s18 =	smov.u32 s15;
	v1 =	vmin.u32 v2, $0x3FFFF;
	(pc) =	sbr.rel @p0 .LBB2_3-.Ltmp3, $3  }
0x38: {  	_ =	sdelay $0x1  }
0x39: {  	s16 =	sadd.s32 $0x10, s16  }
0x3a: {  	vm1 =	vgt.s32 v0, $0x0;
	s15 =	sadd.s32 $0x10, s15;
	v2 =	vmov v0;
	(ifvalue) =	ssetifvalue $0x7FFFFFFF;
	v0 =	vld.msk [tilespmem:s16+$0x0 ss:$0x1], $0xffff  }
.Ltmp4:
0x3b: {  	_ = 	snop;
	(pc) =	sbr.rel .LBB2_4-.Ltmp4, $1  }
0x3c: {  	_ =	sdelay $0x3  }
.LBB2_6:
0x3d: {  	_ =	sfence.sel $0x180000  }
0x3e: {  	s2 =	simm.s32 $0x2;
	[bflag:$0x0] =	sbarrier.arrive $0xFFFF  }
0x3f: {  	s30 =	simm.s32 $0x3;
	[sflag:s2] =	ssyncpa.u1 $0x1  }
0x40: {  	s31 =	simm.s32 $0x1;
	[sflag:s30] =	ssyncpa.u1 $0x1  }
0x41: {  	[sflag:s31] =	ssyncpa.u1 $0x1  }
0x42: {  	p0 =	sne.s32 s1, $0x0;
	_ =	strace $0x90000050  }
0x43: {  	s0 =	sadd.s32 @!p0 $0x100000, s0;
	[bflag:$0x2] =	sbarrier.arrive $0xFFFF  }
0x44: {  	[sflag:s0] =	ssyncadd.tile.s32 @!p0 $0x1;
	_ =	shalt  }
.Lfunc_end2:
_tile_overlayer_lowered:
.L_overlay_start_2:
0x45: {  	(tag) =	ssettag $0x2  }
0x46: {  	s0 =	rddreg [dreg:$0x0];
	s2 =	stileid.u32  }
0x47: {  	s1 =	rddreg [dreg:$0x1];
	p0 =	sne.s32 s2, $0x0  }
0x48: {  	s3 =	rddreg [dreg:$0x2];
	[bflag:$0x3] =	sbarrier.arrive $0xFFFF;
	s2 =	simm.s32 @!p0 $0x1C01  }
0x49: {  	[timem:s3], [sflag:s2] =	dma.local @!p0 [hbm:s0], s1  }
0x4a: {  	s0 =	simm.s32 @!p0 $0x1  }
0x4b: {  	_ =	swait.ge @!p0 [sflag:s0], s1  }
0x4c: {  	s1 =	ssub.s32 @!p0 $0x0, s1;
	[sflag:s0] =	ssyncset.done @!p0 $0x0  }
0x4d: {  	[sflag:s0] =	ssyncadd.s32 @!p0 s1  }
0x4e: {  	[bflag:$0x3] =	sbarrier.arrive $0xFFFF  }
0x4f: {  	_ =	shalt  }

// kernel: gather_offload_async_start.2
scs
__scs_entry_jumppad:
0x0: {  	(pc) =	sbr.rel $0x88, $3  }
0x1: {  	(tag) =	ssettag $0x0;
	lr =	simm.s32 $0x1  }
0x2: {  	[smem:$0x3F98] =	sst lr;
	_ =	strace $0xD0000000  }
0x3: {  	_ = 	snop  }
0x4: {  	_ = 	snop  }
0x5: {  	_ = 	snop  }
0x6: {  	_ = 	snop  }
0x7: {  	_ = 	snop  }
__scs_overlays_trampoline_lowered:
0x8: {  	[smem:$0x3FA7] =	sst s0  }
0x9: {  	[smem:$0x3FA8] =	sst s1  }
0xa: {  	[smem:$0x3FA9] =	sst s2  }
0xb: {  	[smem:$0x3FAA] =	sst s3  }
0xc: {  	[smem:$0x3FAB] =	sst s4  }
0xd: {  	[smem:$0x3FAC] =	sst s5  }
0xe: {  	[smem:$0x3FAD] =	sst s6  }
0xf: {  	[smem:$0x3FAE] =	sst s7  }
0x10: {  	[smem:$0x3FAF] =	sst s8  }
0x11: {  	[smem:$0x3FB0] =	sst s9;
	s0 =	simm.s32 @!p0 $0x0  }
0x12: {  	s1 =	sld [smem:$0x3F96];
	s0 =	simm.s32 @p0 $0x1  }
0x13: {  	[smem:$0x3FB1] =	sst s0;
	s0 =	simm.s32 @!p1 $0x0  }
0x14: {  	s2 =	sld [smem:$0x3F95];
	s0 =	simm.s32 @p1 $0x1  }
0x15: {  	[smem:$0x3FB2] =	sst s0;
	s0 =	simm.s32 @!p2 $0x0  }
0x16: {  	s3 =	sld [smem:$0x3FDB];
	s0 =	simm.s32 @p2 $0x1  }
0x17: {  	s4 =	simm.s32 $0x1BF5;
	[smem:$0x3FB4] =	sst s0  }
0x18: {  	s0 =	sld [smem:$0x3F97];
	_ =	swait.ge [sflag:s4], $0x0  }
0x19: {  	s7 =	sld [smem:$0x3F98]  }
0x1a: {  	s8 =	sadd.s32 $0xFFFFE003, lr  }
0x1b: {  	s9 =	sadd.s32 $0xFFFFFEF7, lr;
	s5 =	simm.s32 $0xFFFFFFFF;
	p2 =	slt.u32 s8, $0xFFFFF086  }
0x1c: {  	p1 =	slt.u32 s9, $0xF7A;
	s5 =	simm.s32 @!p2 $0x0  }
0x1d: {  	s5 =	simm.s32 @p1 $0x1;
	p0 =	seq.s32 s7, s2  }
0x1e: {  	s7 =	smul.u32 @!p0 $0xF7A, s2;
	p2 =	seq.s32 @!p0 s5, $0x0  }
0x1f: {  	s9 =	smul.u32 $0xF7A, s1;
	s8 =	simm.s32 @!p0 $0x1BF5;
	p2 =	por !p2, p0  }
0x20: {  	[sflag:s8] =	ssyncset.s32 @!p0 $0xFFFFF086;
	s6 =	sadd.s32 @!p0 s3, s7;
	s7 =	simm.s32 @!p0 $0x108  }
0x21: {  	s3 =	sadd.s32 s3, s9;
	s6 =	sadd.s32 @!p0 $0x88, s6;
	s7 =	simm.s32 @p2 $0x1082  }
0x22: {  	[simem:s7], [sflag:s8] =	dma.local @!p0 [hbm:s6], $0xF7A  }
0x23: {  	s9 =	sor.u32 $0xD0000000, s2;
	s6 =	simm.s32 $0x108;
	_ =	swait.ge @!p0 [sflag:s8], $0x0  }
0x24: {  	s3 =	sadd.s32 $0x88, s3;
	s6 =	simm.s32 @!p1 $0x1082;
	[sflag:s4] =	ssyncset.s32 $0xFFFFF086  }
0x25: {  	[simem:s6], [sflag:s4] =	dma.local [hbm:s3], $0xF7A  }
0x26: {  	[smem:$0x3F98] =	sst s1;
	(tag) =	ssettag s2;
	_ =	strace s9  }
0x27: {  	s1 =	sld [smem:$0x3FA8]  }
0x28: {  	s2 =	sld [smem:$0x3FA9]  }
0x29: {  	s4 =	sld [smem:$0x3FAB]  }
0x2a: {  	p0 =	seq.s32 s5, $0x0;
	s5 =	sld [smem:$0x3FAC]  }
0x2b: {  	s6 =	sld [smem:$0x3FAD]  }
0x2c: {  	s7 =	sld [smem:$0x3FAE]  }
0x2d: {  	s3 =	simm.s32 $0x108;
	s8 =	sld [smem:$0x3FAF]  }
0x2e: {  	s3 =	simm.s32 @!p0 $0x1082;
	s9 =	sld [smem:$0x3FB0]  }
0x2f: {  	lr =	sadd.s32 s0, s3;
	s0 =	sld [smem:$0x3FA7]  }
0x30: {  	s3 =	sld [smem:$0x3FAA]  }
0x31: {  	[smem:$0x3FB3] =	sst s10  }
0x32: {  	s10 =	sld [smem:$0x3FB1];
	_ =	sdelay $0x3  }
0x33: {  	p0 =	seq.s32 s10, $0x1;
	s10 =	sld [smem:$0x3FB3];
	_ =	sdelay $0x3  }
0x34: {  	[smem:$0x3FB3] =	sst s10  }
0x35: {  	s10 =	sld [smem:$0x3FB2];
	_ =	sdelay $0x3  }
0x36: {  	p1 =	seq.s32 s10, $0x1;
	s10 =	sld [smem:$0x3FB3];
	_ =	sdelay $0x3  }
0x37: {  	[smem:$0x3FB3] =	sst s10  }
0x38: {  	s10 =	sld [smem:$0x3FB4]  }
0x39: {  	_ = 	snop;
	(pc) =	sbr.ind lr, $3  }
0x3a: {  	_ = 	snop  }
0x3b: {  	_ = 	snop  }
0x3c: {  	p2 =	seq.s32 s10, $0x1;
	s10 =	sld [smem:$0x3FB3]  }
0x3d: {  	_ =	shalt  }
0x3e: {  	_ =	shalt  }
0x3f: {  	_ =	shalt  }
0x40: {  	_ =	shalt  }
0x41: {  	_ =	shalt  }
0x42: {  	_ =	shalt  }
0x43: {  	_ =	shalt  }
0x44: {  	_ =	shalt  }
0x45: {  	_ =	shalt  }
0x46: {  	_ =	shalt  }
0x47: {  	_ =	shalt  }
0x48: {  	_ =	shalt  }
0x49: {  	_ =	shalt  }
0x4a: {  	_ =	shalt  }
0x4b: {  	_ =	shalt  }
0x4c: {  	_ =	shalt  }
0x4d: {  	_ =	shalt  }
0x4e: {  	_ =	shalt  }
0x4f: {  	_ =	shalt  }
0x50: {  	_ =	shalt  }
0x51: {  	_ =	shalt  }
0x52: {  	_ =	shalt  }
0x53: {  	_ =	shalt  }
0x54: {  	_ =	shalt  }
0x55: {  	_ =	shalt  }
0x56: {  	_ =	shalt  }
0x57: {  	_ =	shalt  }
0x58: {  	_ =	shalt  }
0x59: {  	_ =	shalt  }
0x5a: {  	_ =	shalt  }
0x5b: {  	_ =	shalt  }
0x5c: {  	_ =	shalt  }
0x5d: {  	_ =	shalt  }
0x5e: {  	_ =	shalt  }
0x5f: {  	_ =	shalt  }
0x60: {  	_ =	shalt  }
0x61: {  	_ =	shalt  }
0x62: {  	_ =	shalt  }
0x63: {  	_ =	shalt  }
0x64: {  	_ =	shalt  }
0x65: {  	_ =	shalt  }
0x66: {  	_ =	shalt  }
0x67: {  	_ =	shalt  }
0x68: {  	_ =	shalt  }
0x69: {  	_ =	shalt  }
0x6a: {  	_ =	shalt  }
0x6b: {  	_ =	shalt  }
0x6c: {  	_ =	shalt  }
0x6d: {  	_ =	shalt  }
0x6e: {  	_ =	shalt  }
0x6f: {  	_ =	shalt  }
0x70: {  	_ =	shalt  }
0x71: {  	_ =	shalt  }
0x72: {  	_ =	shalt  }
0x73: {  	_ =	shalt  }
0x74: {  	_ =	shalt  }
0x75: {  	_ =	shalt  }
0x76: {  	_ =	shalt  }
0x77: {  	_ =	shalt  }
0x78: {  	_ =	shalt  }
0x79: {  	_ =	shalt  }
0x7a: {  	_ =	shalt  }
0x7b: {  	_ =	shalt  }
0x7c: {  	_ =	shalt  }
0x7d: {  	_ =	shalt  }
0x7e: {  	_ =	shalt  }
0x7f: {  	_ =	shalt  }
0x80: {  	_ =	shalt  }
0x81: {  	_ =	shalt  }
0x82: {  	_ =	shalt  }
0x83: {  	_ =	shalt  }
0x84: {  	_ =	shalt  }
0x85: {  	_ =	shalt  }
0x86: {  	_ =	shalt  }
0x87: {  	_ =	shalt  }
.Lfunc_end0:
.L_simem_size_0:
called_computation.4_lowered:
.L_overlay_start_0:
0x88: {  	s2 =	sld [smem:$0x3FD9]  }
0x89: {  	s3 =	sld [smem:$0x3FFE];
	_ =	sdelay $0x1  }
0x8a: {  	s1 =	srdreg.scid  }
0x8b: {  	s0 =	sand.u32 $0x1, s1  }
0x8c: {  	s16 =	sshll.u32 s0, $0xA;
	s2 =	sadd.s32 s3, s2  }
0x8d: {  	s2 =	sadd.s32 s2, s16  }
0x8e: {  	[smem:$0x3FBF] =	sst s2  }
0x8f: {  	_ = 	snop  }
0x90: {  	(tm) =	ssettm $0x1  }
0x91: {  	s17 =	sld [smem:$0x3FFB];
	_ =	sdelay $0x3  }
0x92: {  	_ =	strace s17  }
0x93: {  	s2 =	sld [smem:$0x3FFC];
	_ =	sdelay $0x3  }
0x94: {  	_ =	strace s2  }
0x95: {  	s2 =	sld [smem:$0x3FFD];
	_ =	sdelay $0x3  }
0x96: {  	_ =	strace s2  }
0x97: {  	_ =	strace $0x8FFFFFFF  }
0x98: {  	s18 =	sld [smem:$0x3FDB];
	_ =	sdelay $0x1  }
0x99: {  	s19 =	simm.s32 $_scs_section_size  }
0x9a: {  	s4 =	simm.s32 $_size__tile_overlayer_lowered;
	s5 =	simm.s32 $_tile_overlayer_lowered  }
0x9b: {  	s22 =	simm.s32 $0x1BFF;
	s21 =	sshll.u32 s5, $0x1;
	s2 =	sadd.s32 s19, s18  }
0x9c: {  	s6 =	simm.s32 $0x0;
	s20 =	sshll.u32 s4, $0x1;
	s4 =	sadd.s32 s21, s2  }
0x9d: {  	[timem:s6], [sflag:s22] =	dma.local [hbm:s4], s20  }
0x9e: {  	_ =	swait.ge [sflag:s22], s20  }
0x9f: {  	s3 =	ssub.s32 $0x0, s20;
	[sflag:s22] =	ssyncset.done $0x0  }
0xa0: {  	[sflag:s22] =	ssyncadd.s32 s3;
	_ =	sdelay $0x1  }
0xa1: {  	s23 =	simm.s32 $0x1B8B  }
0xa2: {  	_ =	swait.ge [sflag:s23], $0x1  }
0xa3: {  	[sflag:s23] =	ssyncset.done $0x0  }
0xa4: {  	s25 =	simm.s32 $0x1B8E;
	s24 =	sld [smem:$0x3FFE];
	[sflag:s23] =	ssyncadd.s32 $0xFFFFFFFF  }
0xa5: {  	s26 =	simm.s32 $execute0_lowered;
	[smem:$0x3FD2] =	sst s25  }
0xa6: {  	s4 =	sshll.u32 s26, $0x1;
	_ =	strace $0x80000046;
	[dreg:$0x1] =	wrdreg $0xFFFFFFFF  }
0xa7: {  	s28 =	simm.s32 $_size_execute0_lowered;
	s2 =	sadd.s32 s2, s4;
	[dreg:$0x0] =	wrdreg $0x0  }
0xa8: {  	s4 =	sshll.u32 s28, $0x1;
	[dreg:$0x2] =	wrdreg s2  }
0xa9: {  	[dreg:$0x3] =	wrdreg s4  }
0xaa: {  	[dreg:$0x4] =	wrdreg $0xC0  }
0xab: {  	_ =	task [dreg:s6], $0x5FFFF  }
0xac: {  	[dreg:$0x1] =	wrdreg $0xFFFFFFFF  }
0xad: {  	[dreg:$0x0] =	wrdreg $0x60  }
0xae: {  	[dreg:$0x2] =	wrdreg s24  }
0xaf: {  	[dreg:$0x3] =	wrdreg $0x9  }
0xb0: {  	_ =	task.clear_ibuf [dreg:s6], $0x4FFFF;
	_ =	strace $0x90000046  }
0xb1: {  	s29 =	simm.s32 $0x9;
	_ =	strace $0x80000048  }
0xb2: {  	_ =	swait.ge [sflag:s29], $0x1  }
0xb3: {  	[sflag:s29] =	ssyncadd.s32 $0xFFFFFFFF  }
0xb4: {  	_ =	strace $0x90000048  }
0xb5: {  	_ =	sfence  }
0xb6: {  	s30 =	sld [smem:$0x0];
	_ =	sdelay $0x2  }
0xb7: {  	s31 =	sshll.u32 s1, $0xD;
	s1 =	sshrl.u32 s1, $0x2  }
0xb8: {  	s3 =	sand.u32 $0x4000, s31;
	s1 =	sadd.s32 s1, s30  }
0xb9: {  	s0 =	sor.u32 s3, s0;
	s1 =	sshll.u32 s1, $0x11  }
0xba: {  	s0 =	sor.u32 s1, s0  }
0xbb: {  	s0 =	sadd.s32 $0x8F2B, s0  }
0xbc: {  	[sflag:s0] =	ssyncadd.remote.s32 $0x1  }
0xbd: {  	_ =	sfence.sel $0xFFFF  }
0xbe: {  	[dreg:$0x0] =	wrdreg $0xFFFFFFFF;
	(pc) =	sbr.abs _section_cstart, $3  }
0xbf: {  	[dreg:$0x1] =	wrdreg $0xFFFFFFFF  }
0xc0: {  	_ =	task.clear_ibuf [dreg:s6], $0x2FFFF;
	_ =	strace $0x9FFFFFFF  }
0xc1: {  	(tm) =	ssettm $0x7FFFFFFF  }
tec
execute0_lowered:
.L_overlay_start_1:
0x0: {  	(tag) =	ssettag $0x1  }
0x1: {  	s0 =	srdreg.scid;
	s5 =	rddreg [dreg:$0x0]  }
0x2: {  	s1 =	stileid.u32;
	s6 =	simm.s32 $0x1;
	s9 =	simm.s32 $0x1  }
0x3: {  	s10 =	simm.s32 $0x3;
	s13 =	simm.s32 $0x0;
	s2 =	sshll.u32 s0, $0xC  }
0x4: {  	s12 =	simm.s32 $0x0;
	s3 =	sshll.u32 s1, $0xD;
	s2 =	sand.u32 $0x1000, s2  }
0x5: {  	s0 =	rddreg [dreg:$0x1];
	_ =	strace $0x80000047;
	s2 =	sor.u32 s3, s2  }
0x6: {  	s4 =	sadd.s32 $0x1FC00, s5;
	[sflag:s6] =	ssyncpa.u1 $0x0;
	s8 =	ssub.s32 $0x40000, s2  }
.Ltmp0:
0x7: {  	s3 =	sadd.s32 $0xFC00, s5;
	s7 =	sand.u32 $0x1F000, s8;
	(pc) =	sbr.rel .LBB2_1-.Ltmp0, $4  }
0x8: {  	s5 =	sadd.s32 $0x27C00, s5;
	s11 =	smov.u32 s2;
	p0 =	sne.s32 s7, $0x0  }
0x9: {  	s8 =	sshrl.u32 s8, $0x11;
	s7 =	simm.s32 $0x2;
	s9 =	simm.s32 @!p0 $0x0  }
0xa: {  	[sflag:s7] =	ssyncpa.u1 $0x0;
	p0 =	por $0x0, $0x0;
	s8 =	sadd.s32 s9, s8  }
0xb: {  	vm0 =	vmmov $0xffff;
	[sflag:s10] =	ssyncpa.u1 $0x0;
	s10 =	simm.s32 $0x0;
	s9 =	sadd.s32 $0x1, s8  }
.LBB2_4:
0xc: {  	vm1 =	veq.s32 v0, $0x80000000;
	v63 =	vand.u32 $0x3F, v0;
	v2 =	vand.u32 $0xFFF, v2  }
0xd: {  	v0 =	vsel vm1, $0xFFFFFFFF, v63;
	v2 =	vsel vm1, $0xFFFFFFFF, v2  }
0xe: {  	v3 =	vshll.u32 v0, $0xC;
	v4 =	vshll.u32 v2, $0x3  }
0xf: {  	v0 =	vshll.u32 v0, $0x7;
	v3 =	vand.u32 $0xFFFF8000, v3;
	v4 =	vand.u32 $0xFFFFFC00, v4  }
0x10: {  	v0 =	vand.u32 $0x380, v0;
	v3 =	vadd.s32 v3, v4  }
0x11: {  	v2 =	vand.u32 $0x7F, v2;
	v0 =	vor.u32 v0, v3  }
0x12: {  	v0 =	vor.u32 v2, v0;
	_ =	sdelay $0x1  }
0x13: {  	(ifvalue) =	ssetifvalue $0x7FFFFFFF;
	s14 =	sadd.s32 $0x10, s14  }
0x14: {  	[tilespmem:s14], [sflag:$0x1] =	stream.indirect_vreg.gather [hbm4b:s3+s10], $0x1, v1, vm0, $0x4038;
	[tilespmem:$0x4000] =	vst v63  }
0x15: {  	(ifvalue) =	ssetifvalue $0x7FFFFFFF;
	s14 =	sadd.s32 $0x10, s14  }
0x16: {  	[tilespmem:s14], [sflag:$0x1] =	stream.indirect_vreg.gather [hbm4b:s3+s10], $0x1, v0, vm0, $0x4038;
	[tilespmem:$0x4000] =	vst v63  }
0x17: {  	_ =	swait.ge [sflag:s6], $0x1000  }
0x18: {  	s30 =	sshrl.u32 s13, $0x3;
	[sflag:s6] =	ssyncset.done $0x0  }
0x19: {  	s31 =	sand.u32 $0x7, s13;
	s14 =	sadd.s32 s5, s30;
	[sflag:s6] =	ssyncadd.s32 $0xFFFFF000  }
0x1a: {  	[hbm4b:s14+s31] =	stream.linear.scatter [tilespmem:s15], [sflag:$0x3], $0x1000, $0x38;
	[tilespmem:$0x4000] =	vst v63  }
.LBB2_5:
0x1b: {  	s15 =	sadd.s32 $0x20000, s11  }
0x1c: {  	p2 =	sgt.s32 s15, $0x3FFFF  }
0x1d: {  	s15 =	smov.u32 @p2 s2;
	p2 =	sne.s32 s12, s9  }
.Ltmp1:
0x1e: {  	p1 =	slt.u32 s12, $0x2;
	(pc) =	sbr.rel @!p2 .LBB2_6-.Ltmp1, $4  }
0x1f: {  	s14 =	simm.s32 @!p1 $0x3  }
0x20: {  	s16 =	sadd.s32 $0x1, s12;
	_ =	swait.ge @!p1 [sflag:s14], $0x1000  }
0x21: {  	s13 =	smov.u32 s11;
	p0 =	por !p0, !p0;
	[sflag:s14] =	ssyncset.done @!p1 $0x0  }
0x22: {  	s12 =	smov.u32 s16;
	s11 =	smov.u32 s15;
	[sflag:s14] =	ssyncadd.s32 @!p1 $0xFFFFF000  }
.LBB2_1:
0x23: {  	p1 =	sge.u32 s12, s8  }
0x24: {  	s14 =	sxor.u32 @!p1 $0xFFFFFFFF, s12  }
0x25: {  	s31 =	sadd.s32 $0xFFFFFFFF, s12;
	s15 =	sshrl.u32 @!p1 s11, $0x3;
	s14 =	sshll.u32 @!p1 s14, $0xC  }
0x26: {  	s16 =	sand.u32 @!p1 $0x7, s11;
	s15 =	sadd.s32 @!p1 s4, s15;
	s14 =	sand.u32 @!p1 $0x1000, s14  }
0x27: {  	[tilespmem:s14], [sflag:$0x2] =	stream.linear.gather @!p1 [hbm4b:s15+s16], $0x1000, $0x38;
	[tilespmem:$0x4000] =	vst v63  }
0x28: {  	p1 =	sge.u32 s31, s8  }
.Ltmp2:
0x29: {  	_ = 	snop;
	(pc) =	sbr.rel @p1 .LBB2_5-.Ltmp2, $1  }
0x2a: {  	_ =	sdelay $0x3  }
0x2b: {  	s14 =	simm.s32 $0x1  }
0x2c: {  	_ =	swait.ge [sflag:s7], $0x1000;
	s14 =	simm.s32 @!p0 $0x0  }
0x2d: {  	[sflag:s7] =	ssyncset.done $0x0;
	s14 =	sshll.u32 s14, $0xC  }
0x2e: {  	[sflag:s7] =	ssyncadd.s32 $0xFFFFF000;
	(ifvalue) =	ssetifvalue $0x7FFFFFFF;
	v0 =	vld.msk [tilespmem:s14+$0x0 ss:$0x1], $0xffff;
	_ =	sdelay $0x3  }
0x2f: {  	s15 =	sadd.s32 $0x10, s14  }
0x30: {  	v2 =	vld.msk [tilespmem:s15+$0x0 ss:$0x1], $0xffff;
	v1 =	vshrl.u32 v0, $0x6  }
0x31: {  	vm1 =	veq.s32 v0, $0x80000000;
	v0 =	vand.u32 $0x3F, v0;
	v1 =	vand.u32 $0xFFF, v1  }
0x32: {  	v0 =	vsel vm1, $0xFFFFFFFF, v0;
	v1 =	vsel vm1, $0xFFFFFFFF, v1  }
0x33: {  	v3 =	vshll.u32 v0, $0xC;
	v4 =	vshll.u32 v1, $0x3  }
0x34: {  	v0 =	vshll.u32 v0, $0x7;
	v3 =	vand.u32 $0xFFFF8000, v3;
	v4 =	vand.u32 $0xFFFFFC00, v4  }
0x35: {  	vm1 =	veq.s32 v2, $0x80000000;
	v0 =	vand.u32 $0x380, v0;
	v3 =	vadd.s32 v3, v4  }
0x36: {  	v1 =	vand.u32 $0x7F, v1;
	v0 =	vor.u32 v0, v3;
	v3 =	vshrl.u32 v2, $0x6  }
0x37: {  	s17 =	sadd.s32 $0x10, s15;
	v2 =	vand.u32 $0x3F, v2;
	v1 =	vor.u32 v1, v0;
	v3 =	vand.u32 $0xFFF, v3  }
0x38: {  	v0 =	vld.msk [tilespmem:s17+$0x0 ss:$0x1], $0xffff;
	v2 =	vsel vm1, $0xFFFFFFFF, v2;
	v3 =	vsel vm1, $0xFFFFFFFF, v3  }
0x39: {  	v63 =	vshll.u32 v2, $0xC;
	v5 =	vshll.u32 v3, $0x3  }
0x3a: {  	s31 =	sshll.u32 s12, $0xC;
	v2 =	vshll.u32 v2, $0x7;
	v4 =	vand.u32 $0xFFFF8000, v63;
	v5 =	vand.u32 $0xFFFFFC00, v5  }
0x3b: {  	s14 =	sor.u32 $0x2000, s14;
	s15 =	sand.u32 $0x1000, s31;
	(ifvalue) =	ssetifvalue $0x7FFFFFFF;
	v2 =	vand.u32 $0x380, v2;
	v4 =	vadd.s32 v4, v5  }
0x3c: {  	[tilespmem:s14], [sflag:$0x1] =	stream.indirect_vreg.gather [hbm4b:s3+s10], $0x1, v1, vm0, $0x4038;
	v1 =	vand.u32 $0x7F, v3;
	v3 =	vor.u32 v2, v4;
	[tilespmem:$0x4000] =	vst v63  }
0x3d: {  	s16 =	simm.s32 $0x20;
	s15 =	sor.u32 $0x2000, s15;
	s17 =	sadd.s32 $0x10, s17;
	v2 =	vshrl.u32 v0, $0x6;
	v1 =	vor.u32 v1, v3  }
.LBB2_3:
0x3e: {  	s16 =	sadd.s32 $0x10, s16;
	vm1 =	veq.s32 v0, $0x80000000;
	v3 =	vand.u32 $0x3F, v0;
	v0 =	vld.msk [tilespmem:s17+$0x0 ss:$0x1], $0xffff;
	v2 =	vand.u32 $0xFFF, v2  }
0x3f: {  	p1 =	slt.u32 s16, $0xFF0;
	v3 =	vsel vm1, $0xFFFFFFFF, v3;
	v2 =	vsel vm1, $0xFFFFFFFF, v2  }
.Ltmp3:
0x40: {  	v4 =	vshll.u32 v3, $0xC;
	v5 =	vshll.u32 v2, $0x3;
	(pc) =	sbr.rel @p1 .LBB2_3-.Ltmp3, $4  }
0x41: {  	s14 =	sadd.s32 $0x10, s14;
	v3 =	vshll.u32 v3, $0x7;
	v4 =	vand.u32 $0xFFFF8000, v4;
	v5 =	vand.u32 $0xFFFFFC00, v5;
	(ifvalue) =	ssetifvalue $0x7FFFFFFF  }
0x42: {  	v3 =	vand.u32 $0x380, v3;
	v4 =	vadd.s32 v4, v5;
	[tilespmem:s14], [sflag:$0x1] =	stream.indirect_vreg.gather [hbm4b:s3+s10], $0x1, v1, vm0, $0x4038;
	[tilespmem:$0x4000] =	vst v63  }
0x43: {  	v1 =	vand.u32 $0x7F, v2;
	v3 =	vor.u32 v3, v4  }
0x44: {  	s17 =	sadd.s32 $0x10, s17;
	v2 =	vshrl.u32 v0, $0x6;
	v1 =	vor.u32 v1, v3  }
.Ltmp4:
0x45: {  	_ = 	snop;
	(pc) =	sbr.rel .LBB2_4-.Ltmp4, $1  }
0x46: {  	_ =	sdelay $0x3  }
.LBB2_6:
0x47: {  	_ =	sfence.sel $0x180000  }
0x48: {  	s2 =	simm.s32 $0x2;
	[bflag:$0x0] =	sbarrier.arrive $0xFFFF  }
0x49: {  	s30 =	simm.s32 $0x3;
	[sflag:s2] =	ssyncpa.u1 $0x1  }
0x4a: {  	s31 =	simm.s32 $0x1;
	[sflag:s30] =	ssyncpa.u1 $0x1  }
0x4b: {  	[sflag:s31] =	ssyncpa.u1 $0x1  }
0x4c: {  	p0 =	sne.s32 s1, $0x0;
	_ =	strace $0x90000047  }
0x4d: {  	s0 =	sadd.s32 @!p0 $0x100000, s0;
	[bflag:$0x2] =	sbarrier.arrive $0xFFFF  }
0x4e: {  	[sflag:s0] =	ssyncadd.tile.s32 @!p0 $0x1;
	_ =	shalt  }
.Lfunc_end2:
_tile_overlayer_lowered:
.L_overlay_start_2:
0x4f: {  	(tag) =	ssettag $0x2  }
0x50: {  	s0 =	rddreg [dreg:$0x0];
	s2 =	stileid.u32  }
0x51: {  	s1 =	rddreg [dreg:$0x1];
	p0 =	sne.s32 s2, $0x0  }
0x52: {  	s3 =	rddreg [dreg:$0x2];
	[bflag:$0x3] =	sbarrier.arrive $0xFFFF;
	s2 =	simm.s32 @!p0 $0x1C01  }
0x53: {  	[timem:s3], [sflag:s2] =	dma.local @!p0 [hbm:s0], s1  }
0x54: {  	s0 =	simm.s32 @!p0 $0x1  }
0x55: {  	_ =	swait.ge @!p0 [sflag:s0], s1  }
0x56: {  	s1 =	ssub.s32 @!p0 $0x0, s1;
	[sflag:s0] =	ssyncset.done @!p0 $0x0  }
0x57: {  	[sflag:s0] =	ssyncadd.s32 @!p0 s1  }
0x58: {  	[bflag:$0x3] =	sbarrier.arrive $0xFFFF  }
0x59: {  	_ =	shalt  }

// kernel: gather_offload_async_start
scs
__scs_entry_jumppad:
0x0: {  	(pc) =	sbr.rel $0x88, $3  }
0x1: {  	(tag) =	ssettag $0x0;
	lr =	simm.s32 $0x1  }
0x2: {  	[smem:$0x3F98] =	sst lr;
	_ =	strace $0xD0000000  }
0x3: {  	_ = 	snop  }
0x4: {  	_ = 	snop  }
0x5: {  	_ = 	snop  }
0x6: {  	_ = 	snop  }
0x7: {  	_ = 	snop  }
__scs_overlays_trampoline_lowered:
0x8: {  	[smem:$0x3FA7] =	sst s0  }
0x9: {  	[smem:$0x3FA8] =	sst s1  }
0xa: {  	[smem:$0x3FA9] =	sst s2  }
0xb: {  	[smem:$0x3FAA] =	sst s3  }
0xc: {  	[smem:$0x3FAB] =	sst s4  }
0xd: {  	[smem:$0x3FAC] =	sst s5  }
0xe: {  	[smem:$0x3FAD] =	sst s6  }
0xf: {  	[smem:$0x3FAE] =	sst s7  }
0x10: {  	[smem:$0x3FAF] =	sst s8  }
0x11: {  	[smem:$0x3FB0] =	sst s9;
	s0 =	simm.s32 @!p0 $0x0  }
0x12: {  	s1 =	sld [smem:$0x3F96];
	s0 =	simm.s32 @p0 $0x1  }
0x13: {  	[smem:$0x3FB1] =	sst s0;
	s0 =	simm.s32 @!p1 $0x0  }
0x14: {  	s2 =	sld [smem:$0x3F95];
	s0 =	simm.s32 @p1 $0x1  }
0x15: {  	[smem:$0x3FB2] =	sst s0;
	s0 =	simm.s32 @!p2 $0x0  }
0x16: {  	s3 =	sld [smem:$0x3FDB];
	s0 =	simm.s32 @p2 $0x1  }
0x17: {  	s4 =	simm.s32 $0x1BF5;
	[smem:$0x3FB4] =	sst s0  }
0x18: {  	s0 =	sld [smem:$0x3F97];
	_ =	swait.ge [sflag:s4], $0x0  }
0x19: {  	s7 =	sld [smem:$0x3F98]  }
0x1a: {  	s8 =	sadd.s32 $0xFFFFE003, lr  }
0x1b: {  	s9 =	sadd.s32 $0xFFFFFEF7, lr;
	s5 =	simm.s32 $0xFFFFFFFF;
	p2 =	slt.u32 s8, $0xFFFFF086  }
0x1c: {  	p1 =	slt.u32 s9, $0xF7A;
	s5 =	simm.s32 @!p2 $0x0  }
0x1d: {  	s5 =	simm.s32 @p1 $0x1;
	p0 =	seq.s32 s7, s2  }
0x1e: {  	s7 =	smul.u32 @!p0 $0xF7A, s2;
	p2 =	seq.s32 @!p0 s5, $0x0  }
0x1f: {  	s9 =	smul.u32 $0xF7A, s1;
	s8 =	simm.s32 @!p0 $0x1BF5;
	p2 =	por !p2, p0  }
0x20: {  	[sflag:s8] =	ssyncset.s32 @!p0 $0xFFFFF086;
	s6 =	sadd.s32 @!p0 s3, s7;
	s7 =	simm.s32 @!p0 $0x108  }
0x21: {  	s3 =	sadd.s32 s3, s9;
	s6 =	sadd.s32 @!p0 $0x88, s6;
	s7 =	simm.s32 @p2 $0x1082  }
0x22: {  	[simem:s7], [sflag:s8] =	dma.local @!p0 [hbm:s6], $0xF7A  }
0x23: {  	s9 =	sor.u32 $0xD0000000, s2;
	s6 =	simm.s32 $0x108;
	_ =	swait.ge @!p0 [sflag:s8], $0x0  }
0x24: {  	s3 =	sadd.s32 $0x88, s3;
	s6 =	simm.s32 @!p1 $0x1082;
	[sflag:s4] =	ssyncset.s32 $0xFFFFF086  }
0x25: {  	[simem:s6], [sflag:s4] =	dma.local [hbm:s3], $0xF7A  }
0x26: {  	[smem:$0x3F98] =	sst s1;
	(tag) =	ssettag s2;
	_ =	strace s9  }
0x27: {  	s1 =	sld [smem:$0x3FA8]  }
0x28: {  	s2 =	sld [smem:$0x3FA9]  }
0x29: {  	s4 =	sld [smem:$0x3FAB]  }
0x2a: {  	p0 =	seq.s32 s5, $0x0;
	s5 =	sld [smem:$0x3FAC]  }
0x2b: {  	s6 =	sld [smem:$0x3FAD]  }
0x2c: {  	s7 =	sld [smem:$0x3FAE]  }
0x2d: {  	s3 =	simm.s32 $0x108;
	s8 =	sld [smem:$0x3FAF]  }
0x2e: {  	s3 =	simm.s32 @!p0 $0x1082;
	s9 =	sld [smem:$0x3FB0]  }
0x2f: {  	lr =	sadd.s32 s0, s3;
	s0 =	sld [smem:$0x3FA7]  }
0x30: {  	s3 =	sld [smem:$0x3FAA]  }
0x31: {  	[smem:$0x3FB3] =	sst s10  }
0x32: {  	s10 =	sld [smem:$0x3FB1];
	_ =	sdelay $0x3  }
0x33: {  	p0 =	seq.s32 s10, $0x1;
	s10 =	sld [smem:$0x3FB3];
	_ =	sdelay $0x3  }
0x34: {  	[smem:$0x3FB3] =	sst s10  }
0x35: {  	s10 =	sld [smem:$0x3FB2];
	_ =	sdelay $0x3  }
0x36: {  	p1 =	seq.s32 s10, $0x1;
	s10 =	sld [smem:$0x3FB3];
	_ =	sdelay $0x3  }
0x37: {  	[smem:$0x3FB3] =	sst s10  }
0x38: {  	s10 =	sld [smem:$0x3FB4]  }
0x39: {  	_ = 	snop;
	(pc) =	sbr.ind lr, $3  }
0x3a: {  	_ = 	snop  }
0x3b: {  	_ = 	snop  }
0x3c: {  	p2 =	seq.s32 s10, $0x1;
	s10 =	sld [smem:$0x3FB3]  }
0x3d: {  	_ =	shalt  }
0x3e: {  	_ =	shalt  }
0x3f: {  	_ =	shalt  }
0x40: {  	_ =	shalt  }
0x41: {  	_ =	shalt  }
0x42: {  	_ =	shalt  }
0x43: {  	_ =	shalt  }
0x44: {  	_ =	shalt  }
0x45: {  	_ =	shalt  }
0x46: {  	_ =	shalt  }
0x47: {  	_ =	shalt  }
0x48: {  	_ =	shalt  }
0x49: {  	_ =	shalt  }
0x4a: {  	_ =	shalt  }
0x4b: {  	_ =	shalt  }
0x4c: {  	_ =	shalt  }
0x4d: {  	_ =	shalt  }
0x4e: {  	_ =	shalt  }
0x4f: {  	_ =	shalt  }
0x50: {  	_ =	shalt  }
0x51: {  	_ =	shalt  }
0x52: {  	_ =	shalt  }
0x53: {  	_ =	shalt  }
0x54: {  	_ =	shalt  }
0x55: {  	_ =	shalt  }
0x56: {  	_ =	shalt  }
0x57: {  	_ =	shalt  }
0x58: {  	_ =	shalt  }
0x59: {  	_ =	shalt  }
0x5a: {  	_ =	shalt  }
0x5b: {  	_ =	shalt  }
0x5c: {  	_ =	shalt  }
0x5d: {  	_ =	shalt  }
0x5e: {  	_ =	shalt  }
0x5f: {  	_ =	shalt  }
0x60: {  	_ =	shalt  }
0x61: {  	_ =	shalt  }
0x62: {  	_ =	shalt  }
0x63: {  	_ =	shalt  }
0x64: {  	_ =	shalt  }
0x65: {  	_ =	shalt  }
0x66: {  	_ =	shalt  }
0x67: {  	_ =	shalt  }
0x68: {  	_ =	shalt  }
0x69: {  	_ =	shalt  }
0x6a: {  	_ =	shalt  }
0x6b: {  	_ =	shalt  }
0x6c: {  	_ =	shalt  }
0x6d: {  	_ =	shalt  }
0x6e: {  	_ =	shalt  }
0x6f: {  	_ =	shalt  }
0x70: {  	_ =	shalt  }
0x71: {  	_ =	shalt  }
0x72: {  	_ =	shalt  }
0x73: {  	_ =	shalt  }
0x74: {  	_ =	shalt  }
0x75: {  	_ =	shalt  }
0x76: {  	_ =	shalt  }
0x77: {  	_ =	shalt  }
0x78: {  	_ =	shalt  }
0x79: {  	_ =	shalt  }
0x7a: {  	_ =	shalt  }
0x7b: {  	_ =	shalt  }
0x7c: {  	_ =	shalt  }
0x7d: {  	_ =	shalt  }
0x7e: {  	_ =	shalt  }
0x7f: {  	_ =	shalt  }
0x80: {  	_ =	shalt  }
0x81: {  	_ =	shalt  }
0x82: {  	_ =	shalt  }
0x83: {  	_ =	shalt  }
0x84: {  	_ =	shalt  }
0x85: {  	_ =	shalt  }
0x86: {  	_ =	shalt  }
0x87: {  	_ =	shalt  }
.Lfunc_end0:
.L_simem_size_0:
called_computation.2_lowered:
.L_overlay_start_0:
0x88: {  	s2 =	sld [smem:$0x3FD9]  }
0x89: {  	s3 =	sld [smem:$0x3FFE];
	_ =	sdelay $0x1  }
0x8a: {  	s1 =	srdreg.scid  }
0x8b: {  	s0 =	sand.u32 $0x1, s1  }
0x8c: {  	s16 =	sshll.u32 s0, $0xA;
	s2 =	sadd.s32 s3, s2  }
0x8d: {  	s2 =	sadd.s32 s2, s16  }
0x8e: {  	[smem:$0x3FBF] =	sst s2  }
0x8f: {  	_ = 	snop  }
0x90: {  	(tm) =	ssettm $0x1  }
0x91: {  	s17 =	sld [smem:$0x3FFB];
	_ =	sdelay $0x3  }
0x92: {  	_ =	strace s17  }
0x93: {  	s2 =	sld [smem:$0x3FFC];
	_ =	sdelay $0x3  }
0x94: {  	_ =	strace s2  }
0x95: {  	s2 =	sld [smem:$0x3FFD];
	_ =	sdelay $0x3  }
0x96: {  	_ =	strace s2  }
0x97: {  	_ =	strace $0x8FFFFFFF  }
0x98: {  	s18 =	sld [smem:$0x3FDB];
	_ =	sdelay $0x1  }
0x99: {  	s19 =	simm.s32 $_scs_section_size  }
0x9a: {  	s4 =	simm.s32 $_size__tile_overlayer_lowered;
	s5 =	simm.s32 $_tile_overlayer_lowered  }
0x9b: {  	s22 =	simm.s32 $0x1BFF;
	s21 =	sshll.u32 s5, $0x1;
	s2 =	sadd.s32 s19, s18  }
0x9c: {  	s6 =	simm.s32 $0x0;
	s20 =	sshll.u32 s4, $0x1;
	s4 =	sadd.s32 s21, s2  }
0x9d: {  	[timem:s6], [sflag:s22] =	dma.local [hbm:s4], s20  }
0x9e: {  	_ =	swait.ge [sflag:s22], s20  }
0x9f: {  	s3 =	ssub.s32 $0x0, s20;
	[sflag:s22] =	ssyncset.done $0x0  }
0xa0: {  	[sflag:s22] =	ssyncadd.s32 s3;
	_ =	sdelay $0x1  }
0xa1: {  	s23 =	simm.s32 $0x1B8B  }
0xa2: {  	_ =	swait.ge [sflag:s23], $0x1  }
0xa3: {  	[sflag:s23] =	ssyncset.done $0x0  }
0xa4: {  	s25 =	simm.s32 $0x1B8E;
	s24 =	sld [smem:$0x3FFE];
	[sflag:s23] =	ssyncadd.s32 $0xFFFFFFFF  }
0xa5: {  	s26 =	simm.s32 $execute0_lowered;
	[smem:$0x3FD2] =	sst s25  }
0xa6: {  	s4 =	sshll.u32 s26, $0x1;
	_ =	strace $0x8000004C;
	[dreg:$0x1] =	wrdreg $0xFFFFFFFF  }
0xa7: {  	s28 =	simm.s32 $_size_execute0_lowered;
	s2 =	sadd.s32 s2, s4;
	[dreg:$0x0] =	wrdreg $0x0  }
0xa8: {  	s4 =	sshll.u32 s28, $0x1;
	[dreg:$0x2] =	wrdreg s2  }
0xa9: {  	[dreg:$0x3] =	wrdreg s4  }
0xaa: {  	[dreg:$0x4] =	wrdreg $0xC0  }
0xab: {  	_ =	task [dreg:s6], $0x5FFFF  }
0xac: {  	[dreg:$0x1] =	wrdreg $0xFFFFFFFF  }
0xad: {  	[dreg:$0x0] =	wrdreg $0x60  }
0xae: {  	[dreg:$0x2] =	wrdreg s24  }
0xaf: {  	[dreg:$0x3] =	wrdreg $0xA  }
0xb0: {  	_ =	task.clear_ibuf [dreg:s6], $0x4FFFF;
	_ =	strace $0x9000004C  }
0xb1: {  	s29 =	simm.s32 $0xA;
	_ =	strace $0x8000004E  }
0xb2: {  	_ =	swait.ge [sflag:s29], $0x1  }
0xb3: {  	[sflag:s29] =	ssyncadd.s32 $0xFFFFFFFF  }
0xb4: {  	_ =	strace $0x9000004E  }
0xb5: {  	_ =	sfence  }
0xb6: {  	s30 =	sld [smem:$0x0];
	_ =	sdelay $0x2  }
0xb7: {  	s31 =	sshll.u32 s1, $0xD;
	s1 =	sshrl.u32 s1, $0x2  }
0xb8: {  	s3 =	sand.u32 $0x4000, s31;
	s1 =	sadd.s32 s1, s30  }
0xb9: {  	s0 =	sor.u32 s3, s0;
	s1 =	sshll.u32 s1, $0x11  }
0xba: {  	s0 =	sor.u32 s1, s0  }
0xbb: {  	s0 =	sadd.s32 $0x8F2B, s0  }
0xbc: {  	[sflag:s0] =	ssyncadd.remote.s32 $0x1  }
0xbd: {  	_ =	sfence.sel $0xFFFF  }
0xbe: {  	[dreg:$0x0] =	wrdreg $0xFFFFFFFF;
	(pc) =	sbr.abs _section_cstart, $3  }
0xbf: {  	[dreg:$0x1] =	wrdreg $0xFFFFFFFF  }
0xc0: {  	_ =	task.clear_ibuf [dreg:s6], $0x2FFFF;
	_ =	strace $0x9FFFFFFF  }
0xc1: {  	(tm) =	ssettm $0x7FFFFFFF  }
tec
execute0_lowered:
.L_overlay_start_1:
0x0: {  	(tag) =	ssettag $0x1  }
0x1: {  	s8 =	rddreg [dreg:$0x0];
	s1 =	stileid.u32  }
0x2: {  	s2 =	srdreg.scid;
	s0 =	rddreg [dreg:$0x1]  }
0x3: {  	_ =	strace $0x8000004D;
	s5 =	simm.s32 $0x1;
	s9 =	simm.s32 $0x1  }
0x4: {  	s10 =	simm.s32 $0x3;
	s2 =	sand.u32 $0x1, s2;
	s3 =	sshll.u32 s1, $0x1  }
0x5: {  	s13 =	simm.s32 $0x0;
	s12 =	simm.s32 $0x0;
	s6 =	sor.u32 s3, s2  }
0x6: {  	[sflag:s5] =	ssyncpa.u1 $0x0;
	s2 =	sadd.s32 $0x17C00, s8;
	s4 =	smul.u32 $0x900, s6  }
0x7: {  	s3 =	sadd.s32 $0x9A00, s8;
	p0 =	slt.u32 s6, $0x3;
	s6 =	simm.s32 $0x12000  }
.Ltmp0:
0x8: {  	s6 =	simm.s32 @!p0 $0x0;
	s7 =	ssub.s32 $0x13200, s4;
	(pc) =	sbr.rel .LBB2_1-.Ltmp0, $4  }
0x9: {  	s9 =	simm.s32 @!p0 $0x0;
	p0 =	sne.s32 s7, s6;
	s7 =	simm.s32 $0x1  }
0xa: {  	s8 =	sadd.s32 $0xC200, s8;
	s6 =	simm.s32 $0x2;
	s7 =	simm.s32 @!p0 $0x0  }
0xb: {  	s11 =	smov.u32 s4;
	[sflag:s6] =	ssyncpa.u1 $0x0;
	s7 =	sadd.s32 s9, s7  }
0xc: {  	vm0 =	vmmov $0xffff;
	[sflag:s10] =	ssyncpa.u1 $0x0;
	s10 =	simm.s32 $0x0;
	s9 =	sadd.s32 $0x1, s7  }
.LBB2_4:
0xd: {  	v2 =	vnsel vm1, $0x0, v2  }
0xe: {  	vm1 =	vgt.s32 v0, $0x0;
	v2 =	vmin.u32 v2, $0x3FFFF  }
0xf: {  	v0 =	vnsel vm1, $0x0, v0  }
0x10: {  	v0 =	vmin.u32 v0, $0x3FFFF  }
0x11: {  	[tilespmem:s18], [sflag:$0x1] =	stream.indirect_vreg.gather [hbm4b:s2+s10], $0x1, v1, vm0, $0x4038;
	[tilespmem:$0x2400] =	vst v63  }
0x12: {  	(ifvalue) =	ssetifvalue $0x7FFFFFFF  }
0x13: {  	[tilespmem:s15], [sflag:$0x1] =	stream.indirect_vreg.gather [hbm4b:s2+s10], $0x1, v2, vm0, $0x4038;
	[tilespmem:$0x2400] =	vst v63  }
0x14: {  	s29 =	sadd.s32 $0x10, s15;
	(ifvalue) =	ssetifvalue $0x7FFFFFFF  }
0x15: {  	[tilespmem:s29], [sflag:$0x1] =	stream.indirect_vreg.gather [hbm4b:s2+s10], $0x1, v0, vm0, $0x4038;
	[tilespmem:$0x2400] =	vst v63  }
0x16: {  	_ =	swait.ge [sflag:s5], $0x900  }
0x17: {  	s30 =	sshrl.u32 s13, $0x3;
	[sflag:s5] =	ssyncset.done $0x0  }
0x18: {  	s31 =	sand.u32 $0x7, s13;
	s15 =	sadd.s32 s8, s30;
	[sflag:s5] =	ssyncadd.s32 $0xFFFFF700  }
0x19: {  	[hbm4b:s15+s31] =	stream.linear.scatter [tilespmem:s14], [sflag:$0x3], $0x900, $0x38;
	[tilespmem:$0x2400] =	vst v63  }
.LBB2_5:
0x1a: {  	s15 =	sadd.s32 $0x12000, s11  }
0x1b: {  	p1 =	sgt.s32 s15, $0x131FF  }
0x1c: {  	s15 =	smov.u32 @p1 s4;
	p1 =	sne.s32 s12, s9  }
.Ltmp1:
0x1d: {  	p0 =	slt.u32 s12, $0x2;
	(pc) =	sbr.rel @!p1 .LBB2_6-.Ltmp1, $4  }
0x1e: {  	s14 =	simm.s32 @!p0 $0x3  }
0x1f: {  	_ =	swait.ge @!p0 [sflag:s14], $0x900  }
0x20: {  	s16 =	sadd.s32 $0x1, s12;
	s13 =	smov.u32 s11;
	[sflag:s14] =	ssyncset.done @!p0 $0x0  }
0x21: {  	s12 =	smov.u32 s16;
	s11 =	smov.u32 s15;
	[sflag:s14] =	ssyncadd.s32 @!p0 $0xFFFFF700  }
.LBB2_1:
0x22: {  	p0 =	sge.u32 s12, s7  }
0x23: {  	s14 =	sxor.u32 @!p0 $0x1, s12  }
0x24: {  	s14 =	smul.u32 @!p0 $0x2400, s14  }
0x25: {  	s31 =	sadd.s32 $0xFFFFFFFF, s12;
	s15 =	sshrl.u32 @!p0 s11, $0x3  }
0x26: {  	s16 =	sand.u32 @!p0 $0x7, s11;
	s15 =	sadd.s32 @!p0 s3, s15;
	s14 =	sshra.s32 @!p0 s14, $0x2  }
0x27: {  	[tilespmem:s14], [sflag:$0x2] =	stream.linear.gather @!p0 [hbm4b:s15+s16], $0x900, $0x38;
	[tilespmem:$0x2400] =	vst v63  }
0x28: {  	p0 =	sge.u32 s31, s7  }
.Ltmp2:
0x29: {  	_ = 	snop;
	(pc) =	sbr.rel @p0 .LBB2_5-.Ltmp2, $1  }
0x2a: {  	_ =	sdelay $0x3  }
0x2b: {  	s14 =	sand.u32 $0x1, s12  }
0x2c: {  	_ =	swait.ge [sflag:s6], $0x900;
	p0 =	seq.s32 s14, $0x1;
	s14 =	simm.s32 $0x900  }
0x2d: {  	[sflag:s6] =	ssyncset.done $0x0;
	s14 =	simm.s32 @!p0 $0x0  }
0x2e: {  	[sflag:s6] =	ssyncadd.s32 $0xFFFFF700;
	(ifvalue) =	ssetifvalue $0x7FFFFFFF;
	v0 =	vld.msk [tilespmem:s14+$0x0 ss:$0x1], $0xffff;
	_ =	sdelay $0x4  }
0x2f: {  	s15 =	sadd.s32 $0x10, s14;
	vm1 =	vgt.s32 v0, $0x0  }
0x30: {  	v2 =	vld.msk [tilespmem:s15+$0x0 ss:$0x1], $0xffff;
	v1 =	vnsel vm1, $0x0, v0  }
0x31: {  	v1 =	vmin.u32 v1, $0x3FFFF;
	_ =	sdelay $0x2  }
0x32: {  	s17 =	simm.s32 $0x20;
	s14 =	sor.u32 $0x1200, s14;
	s16 =	sadd.s32 $0x10, s15  }
0x33: {  	s15 =	sadd.s32 $0x10, s14;
	s18 =	smov.u32 s14;
	v0 =	vld.msk [tilespmem:s16+$0x0 ss:$0x1], $0xffff;
	vm1 =	vgt.s32 v2, $0x0;
	(ifvalue) =	ssetifvalue $0x7FFFFFFF  }
.LBB2_3:
0x34: {  	[tilespmem:s18], [sflag:$0x1] =	stream.indirect_vreg.gather [hbm4b:s2+s10], $0x1, v1, vm0, $0x4038;
	[tilespmem:$0x2400] =	vst v63  }
0x35: {  	s17 =	sadd.s32 $0x10, s17  }
0x36: {  	v2 =	vnsel vm1, $0x0, v2;
	p0 =	slt.u32 s17, $0x8F0  }
.Ltmp3:
0x37: {  	s18 =	smov.u32 s15;
	v1 =	vmin.u32 v2, $0x3FFFF;
	(pc) =	sbr.rel @p0 .LBB2_3-.Ltmp3, $3  }
0x38: {  	_ =	sdelay $0x1  }
0x39: {  	s16 =	sadd.s32 $0x10, s16  }
0x3a: {  	vm1 =	vgt.s32 v0, $0x0;
	s15 =	sadd.s32 $0x10, s15;
	v2 =	vmov v0;
	(ifvalue) =	ssetifvalue $0x7FFFFFFF;
	v0 =	vld.msk [tilespmem:s16+$0x0 ss:$0x1], $0xffff  }
.Ltmp4:
0x3b: {  	_ = 	snop;
	(pc) =	sbr.rel .LBB2_4-.Ltmp4, $1  }
0x3c: {  	_ =	sdelay $0x3  }
.LBB2_6:
0x3d: {  	_ =	sfence.sel $0x180000  }
0x3e: {  	s2 =	simm.s32 $0x2;
	[bflag:$0x0] =	sbarrier.arrive $0xFFFF  }
0x3f: {  	s30 =	simm.s32 $0x3;
	[sflag:s2] =	ssyncpa.u1 $0x1  }
0x40: {  	s31 =	simm.s32 $0x1;
	[sflag:s30] =	ssyncpa.u1 $0x1  }
0x41: {  	[sflag:s31] =	ssyncpa.u1 $0x1  }
0x42: {  	p0 =	sne.s32 s1, $0x0;
	_ =	strace $0x9000004D  }
0x43: {  	s0 =	sadd.s32 @!p0 $0x100000, s0;
	[bflag:$0x2] =	sbarrier.arrive $0xFFFF  }
0x44: {  	[sflag:s0] =	ssyncadd.tile.s32 @!p0 $0x1;
	_ =	shalt  }
.Lfunc_end2:
_tile_overlayer_lowered:
.L_overlay_start_2:
0x45: {  	(tag) =	ssettag $0x2  }
0x46: {  	s0 =	rddreg [dreg:$0x0];
	s2 =	stileid.u32  }
0x47: {  	s1 =	rddreg [dreg:$0x1];
	p0 =	sne.s32 s2, $0x0  }
0x48: {  	s3 =	rddreg [dreg:$0x2];
	[bflag:$0x3] =	sbarrier.arrive $0xFFFF;
	s2 =	simm.s32 @!p0 $0x1C01  }
0x49: {  	[timem:s3], [sflag:s2] =	dma.local @!p0 [hbm:s0], s1  }
0x4a: {  	s0 =	simm.s32 @!p0 $0x1  }
0x4b: {  	_ =	swait.ge @!p0 [sflag:s0], s1  }
0x4c: {  	s1 =	ssub.s32 @!p0 $0x0, s1;
	[sflag:s0] =	ssyncset.done @!p0 $0x0  }
0x4d: {  	[sflag:s0] =	ssyncadd.s32 @!p0 s1  }
0x4e: {  	[bflag:$0x3] =	sbarrier.arrive $0xFFFF  }
0x4f: {  	_ =	shalt  }

// kernel: kernel.4.cloned.1.call-start
scs
__scs_entry_jumppad:
0x0: {  	(pc) =	sbr.rel $0x88, $3  }
0x1: {  	(tag) =	ssettag $0x0;
	lr =	simm.s32 $0x1  }
0x2: {  	[smem:$0x3F98] =	sst lr;
	_ =	strace $0xD0000000  }
0x3: {  	_ = 	snop  }
0x4: {  	_ = 	snop  }
0x5: {  	_ = 	snop  }
0x6: {  	_ = 	snop  }
0x7: {  	_ = 	snop  }
__scs_overlays_trampoline_lowered:
0x8: {  	[smem:$0x3FA7] =	sst s0  }
0x9: {  	[smem:$0x3FA8] =	sst s1  }
0xa: {  	[smem:$0x3FA9] =	sst s2  }
0xb: {  	[smem:$0x3FAA] =	sst s3  }
0xc: {  	[smem:$0x3FAB] =	sst s4  }
0xd: {  	[smem:$0x3FAC] =	sst s5  }
0xe: {  	[smem:$0x3FAD] =	sst s6  }
0xf: {  	[smem:$0x3FAE] =	sst s7  }
0x10: {  	[smem:$0x3FAF] =	sst s8  }
0x11: {  	[smem:$0x3FB0] =	sst s9;
	s0 =	simm.s32 @!p0 $0x0  }
0x12: {  	s1 =	sld [smem:$0x3F96];
	s0 =	simm.s32 @p0 $0x1  }
0x13: {  	[smem:$0x3FB1] =	sst s0;
	s0 =	simm.s32 @!p1 $0x0  }
0x14: {  	s2 =	sld [smem:$0x3F95];
	s0 =	simm.s32 @p1 $0x1  }
0x15: {  	[smem:$0x3FB2] =	sst s0;
	s0 =	simm.s32 @!p2 $0x0  }
0x16: {  	s3 =	sld [smem:$0x3FDB];
	s0 =	simm.s32 @p2 $0x1  }
0x17: {  	s4 =	simm.s32 $0x1BF5;
	[smem:$0x3FB4] =	sst s0  }
0x18: {  	s0 =	sld [smem:$0x3F97];
	_ =	swait.ge [sflag:s4], $0x0  }
0x19: {  	s7 =	sld [smem:$0x3F98]  }
0x1a: {  	s8 =	sadd.s32 $0xFFFFE003, lr  }
0x1b: {  	s9 =	sadd.s32 $0xFFFFFEF7, lr;
	s5 =	simm.s32 $0xFFFFFFFF;
	p2 =	slt.u32 s8, $0xFFFFF086  }
0x1c: {  	p1 =	slt.u32 s9, $0xF7A;
	s5 =	simm.s32 @!p2 $0x0  }
0x1d: {  	s5 =	simm.s32 @p1 $0x1;
	p0 =	seq.s32 s7, s2  }
0x1e: {  	s7 =	smul.u32 @!p0 $0xF7A, s2;
	p2 =	seq.s32 @!p0 s5, $0x0  }
0x1f: {  	s9 =	smul.u32 $0xF7A, s1;
	s8 =	simm.s32 @!p0 $0x1BF5;
	p2 =	por !p2, p0  }
0x20: {  	[sflag:s8] =	ssyncset.s32 @!p0 $0xFFFFF086;
	s6 =	sadd.s32 @!p0 s3, s7;
	s7 =	simm.s32 @!p0 $0x108  }
0x21: {  	s3 =	sadd.s32 s3, s9;
	s6 =	sadd.s32 @!p0 $0x88, s6;
	s7 =	simm.s32 @p2 $0x1082  }
0x22: {  	[simem:s7], [sflag:s8] =	dma.local @!p0 [hbm:s6], $0xF7A  }
0x23: {  	s9 =	sor.u32 $0xD0000000, s2;
	s6 =	simm.s32 $0x108;
	_ =	swait.ge @!p0 [sflag:s8], $0x0  }
0x24: {  	s3 =	sadd.s32 $0x88, s3;
	s6 =	simm.s32 @!p1 $0x1082;
	[sflag:s4] =	ssyncset.s32 $0xFFFFF086  }
0x25: {  	[simem:s6], [sflag:s4] =	dma.local [hbm:s3], $0xF7A  }
0x26: {  	[smem:$0x3F98] =	sst s1;
	(tag) =	ssettag s2;
	_ =	strace s9  }
0x27: {  	s1 =	sld [smem:$0x3FA8]  }
0x28: {  	s2 =	sld [smem:$0x3FA9]  }
0x29: {  	s4 =	sld [smem:$0x3FAB]  }
0x2a: {  	p0 =	seq.s32 s5, $0x0;
	s5 =	sld [smem:$0x3FAC]  }
0x2b: {  	s6 =	sld [smem:$0x3FAD]  }
0x2c: {  	s7 =	sld [smem:$0x3FAE]  }
0x2d: {  	s3 =	simm.s32 $0x108;
	s8 =	sld [smem:$0x3FAF]  }
0x2e: {  	s3 =	simm.s32 @!p0 $0x1082;
	s9 =	sld [smem:$0x3FB0]  }
0x2f: {  	lr =	sadd.s32 s0, s3;
	s0 =	sld [smem:$0x3FA7]  }
0x30: {  	s3 =	sld [smem:$0x3FAA]  }
0x31: {  	[smem:$0x3FB3] =	sst s10  }
0x32: {  	s10 =	sld [smem:$0x3FB1];
	_ =	sdelay $0x3  }
0x33: {  	p0 =	seq.s32 s10, $0x1;
	s10 =	sld [smem:$0x3FB3];
	_ =	sdelay $0x3  }
0x34: {  	[smem:$0x3FB3] =	sst s10  }
0x35: {  	s10 =	sld [smem:$0x3FB2];
	_ =	sdelay $0x3  }
0x36: {  	p1 =	seq.s32 s10, $0x1;
	s10 =	sld [smem:$0x3FB3];
	_ =	sdelay $0x3  }
0x37: {  	[smem:$0x3FB3] =	sst s10  }
0x38: {  	s10 =	sld [smem:$0x3FB4]  }
0x39: {  	_ = 	snop;
	(pc) =	sbr.ind lr, $3  }
0x3a: {  	_ = 	snop  }
0x3b: {  	_ = 	snop  }
0x3c: {  	p2 =	seq.s32 s10, $0x1;
	s10 =	sld [smem:$0x3FB3]  }
0x3d: {  	_ =	shalt  }
0x3e: {  	_ =	shalt  }
0x3f: {  	_ =	shalt  }
0x40: {  	_ =	shalt  }
0x41: {  	_ =	shalt  }
0x42: {  	_ =	shalt  }
0x43: {  	_ =	shalt  }
0x44: {  	_ =	shalt  }
0x45: {  	_ =	shalt  }
0x46: {  	_ =	shalt  }
0x47: {  	_ =	shalt  }
0x48: {  	_ =	shalt  }
0x49: {  	_ =	shalt  }
0x4a: {  	_ =	shalt  }
0x4b: {  	_ =	shalt  }
0x4c: {  	_ =	shalt  }
0x4d: {  	_ =	shalt  }
0x4e: {  	_ =	shalt  }
0x4f: {  	_ =	shalt  }
0x50: {  	_ =	shalt  }
0x51: {  	_ =	shalt  }
0x52: {  	_ =	shalt  }
0x53: {  	_ =	shalt  }
0x54: {  	_ =	shalt  }
0x55: {  	_ =	shalt  }
0x56: {  	_ =	shalt  }
0x57: {  	_ =	shalt  }
0x58: {  	_ =	shalt  }
0x59: {  	_ =	shalt  }
0x5a: {  	_ =	shalt  }
0x5b: {  	_ =	shalt  }
0x5c: {  	_ =	shalt  }
0x5d: {  	_ =	shalt  }
0x5e: {  	_ =	shalt  }
0x5f: {  	_ =	shalt  }
0x60: {  	_ =	shalt  }
0x61: {  	_ =	shalt  }
0x62: {  	_ =	shalt  }
0x63: {  	_ =	shalt  }
0x64: {  	_ =	shalt  }
0x65: {  	_ =	shalt  }
0x66: {  	_ =	shalt  }
0x67: {  	_ =	shalt  }
0x68: {  	_ =	shalt  }
0x69: {  	_ =	shalt  }
0x6a: {  	_ =	shalt  }
0x6b: {  	_ =	shalt  }
0x6c: {  	_ =	shalt  }
0x6d: {  	_ =	shalt  }
0x6e: {  	_ =	shalt  }
0x6f: {  	_ =	shalt  }
0x70: {  	_ =	shalt  }
0x71: {  	_ =	shalt  }
0x72: {  	_ =	shalt  }
0x73: {  	_ =	shalt  }
0x74: {  	_ =	shalt  }
0x75: {  	_ =	shalt  }
0x76: {  	_ =	shalt  }
0x77: {  	_ =	shalt  }
0x78: {  	_ =	shalt  }
0x79: {  	_ =	shalt  }
0x7a: {  	_ =	shalt  }
0x7b: {  	_ =	shalt  }
0x7c: {  	_ =	shalt  }
0x7d: {  	_ =	shalt  }
0x7e: {  	_ =	shalt  }
0x7f: {  	_ =	shalt  }
0x80: {  	_ =	shalt  }
0x81: {  	_ =	shalt  }
0x82: {  	_ =	shalt  }
0x83: {  	_ =	shalt  }
0x84: {  	_ =	shalt  }
0x85: {  	_ =	shalt  }
0x86: {  	_ =	shalt  }
0x87: {  	_ =	shalt  }
.Lfunc_end0:
.L_simem_size_0:
called_computation.5_lowered:
.L_overlay_start_0:
0x88: {  	s2 =	sld [smem:$0x3FD9]  }
0x89: {  	s3 =	sld [smem:$0x3FFE];
	_ =	sdelay $0x1  }
0x8a: {  	s1 =	srdreg.scid  }
0x8b: {  	s0 =	sand.u32 $0x1, s1  }
0x8c: {  	s17 =	sshll.u32 s0, $0xA;
	s2 =	sadd.s32 s3, s2  }
0x8d: {  	s2 =	sadd.s32 s2, s17  }
0x8e: {  	[smem:$0x3FBF] =	sst s2  }
0x8f: {  	_ = 	snop  }
0x90: {  	s18 =	sld [smem:$0x3FD0];
	(tm) =	ssettm $0x1  }
0x91: {  	s19 =	sld [smem:$0x3FFB];
	_ =	sdelay $0x3  }
0x92: {  	_ =	strace s19  }
0x93: {  	s2 =	sld [smem:$0x3FFC];
	_ =	sdelay $0x3  }
0x94: {  	_ =	strace s2  }
0x95: {  	s2 =	sld [smem:$0x3FFD];
	_ =	sdelay $0x3  }
0x96: {  	_ =	strace s2  }
0x97: {  	_ =	strace $0x8FFFFFFF  }
0x98: {  	s20 =	sld [smem:$0x3FDB];
	_ =	sdelay $0x1  }
0x99: {  	s4 =	simm.s32 $_scs_section_size  }
0x9a: {  	s5 =	simm.s32 $_size__tile_overlayer_lowered;
	s6 =	simm.s32 $_tile_overlayer_lowered  }
0x9b: {  	s7 =	simm.s32 $0x1BFF;
	s21 =	sshll.u32 s6, $0x1;
	s4 =	sadd.s32 s4, s20  }
0x9c: {  	s22 =	simm.s32 $0x0;
	s5 =	sshll.u32 s5, $0x1;
	s6 =	sadd.s32 s21, s4  }
0x9d: {  	[timem:s22], [sflag:s7] =	dma.local [hbm:s6], s5  }
0x9e: {  	_ =	swait.ge [sflag:s7], s5  }
0x9f: {  	s5 =	ssub.s32 $0x0, s5;
	[sflag:s7] =	ssyncset.done $0x0  }
0xa0: {  	[sflag:s7] =	ssyncadd.s32 s5;
	_ =	sdelay $0x1  }
0xa1: {  	s23 =	simm.s32 $0x1B8B  }
0xa2: {  	_ =	swait.ge [sflag:s23], $0x1  }
0xa3: {  	[sflag:s23] =	ssyncset.done $0x0  }
0xa4: {  	[sflag:s23] =	ssyncadd.s32 $0xFFFFFFFF  }
0xa5: {  	s5 =	sld [smem:$0x0]  }
0xa6: {  	s6 =	sand.u32 $0xFFFFFFFE, s1  }
0xa7: {  	p0 =	sne.s32 s1, s6  }
0xa8: {  	s6 =	sshll.u32 @p0 s6, $0xE  }
0xa9: {  	s6 =	sadd.s32 @p0 $0x11B8D, s6;
	s7 =	sshll.u32 @p0 s5, $0x11  }
0xaa: {  	s6 =	sor.u32 @p0 s7, s6  }
0xab: {  	[sflag:s6] =	ssyncadd.remote.s32 @p0 $0x1;
	_ =	sdelay $0x1  }
0xac: {  	s6 =	simm.s32 @p0 $0x1B8D  }
0xad: {  	_ =	swait.eq @p0 [sflag:s6], $0x1  }
0xae: {  	[sflag:s6] =	ssyncadd.s32 @p0 $0xFFFFFFFF  }
0xaf: {  	s7 =	sshll.u32 @!p0 s1, $0xE  }
0xb0: {  	s7 =	sor.u32 @!p0 $0x4000, s7;
	s6 =	simm.s32 @!p0 $0x1B8D  }
0xb1: {  	s5 =	sshll.u32 @!p0 s5, $0x11;
	s7 =	sadd.s32 @!p0 $0x11B8D, s7;
	_ =	swait.eq @!p0 [sflag:s6], $0x1  }
0xb2: {  	s5 =	sor.u32 @!p0 s5, s7;
	[sflag:s6] =	ssyncadd.s32 @!p0 $0xFFFFFFFF  }
0xb3: {  	s25 =	simm.s32 $0x1B8E;
	s24 =	sld [smem:$0x3FFE];
	[sflag:s5] =	ssyncadd.remote.s32 @!p0 $0x1  }
0xb4: {  	s26 =	simm.s32 $execute0_lowered;
	[smem:$0x3FD2] =	sst s25  }
0xb5: {  	s6 =	sshll.u32 s26, $0x1;
	_ =	strace $0x80000052;
	[dreg:$0x1] =	wrdreg $0xFFFFFFFF  }
0xb6: {  	s28 =	simm.s32 $_size_execute0_lowered;
	s4 =	sadd.s32 s4, s6;
	[dreg:$0x0] =	wrdreg $0x0  }
0xb7: {  	s6 =	sshll.u32 s28, $0x1;
	[dreg:$0x2] =	wrdreg s4  }
0xb8: {  	[dreg:$0x3] =	wrdreg s6  }
0xb9: {  	[dreg:$0x4] =	wrdreg $0xC0  }
0xba: {  	_ =	task [dreg:s22], $0x5FFFF  }
0xbb: {  	[dreg:$0x1] =	wrdreg $0xFFFFFFFF  }
0xbc: {  	[dreg:$0x0] =	wrdreg $0x60  }
0xbd: {  	[dreg:$0x2] =	wrdreg s18  }
0xbe: {  	[dreg:$0x3] =	wrdreg s24  }
0xbf: {  	[dreg:$0x4] =	wrdreg $0xA  }
0xc0: {  	_ =	task.clear_ibuf [dreg:s22], $0x5FFFF;
	_ =	strace $0x90000052  }
0xc1: {  	s29 =	simm.s32 $0xA;
	_ =	strace $0x80000054  }
0xc2: {  	_ =	swait.ge [sflag:s29], $0x1  }
0xc3: {  	[sflag:s29] =	ssyncadd.s32 $0xFFFFFFFF  }
0xc4: {  	_ =	strace $0x90000054  }
0xc5: {  	_ =	sfence  }
0xc6: {  	s30 =	sld [smem:$0x0];
	_ =	sdelay $0x2  }
0xc7: {  	s31 =	sshll.u32 s1, $0xD;
	s1 =	sshrl.u32 s1, $0x2  }
0xc8: {  	s4 =	sand.u32 $0x4000, s31;
	s1 =	sadd.s32 s1, s30  }
0xc9: {  	s0 =	sor.u32 s4, s0;
	s1 =	sshll.u32 s1, $0x11  }
0xca: {  	s0 =	sor.u32 s1, s0  }
0xcb: {  	s0 =	sadd.s32 $0x8F2B, s0  }
0xcc: {  	[sflag:s0] =	ssyncadd.remote.s32 $0x1  }
0xcd: {  	_ =	sfence.sel $0xFFFF  }
0xce: {  	[dreg:$0x0] =	wrdreg $0xFFFFFFFF;
	(pc) =	sbr.abs _section_cstart, $3  }
0xcf: {  	[dreg:$0x1] =	wrdreg $0xFFFFFFFF  }
0xd0: {  	_ =	task.clear_ibuf [dreg:s22], $0x2FFFF;
	_ =	strace $0x9FFFFFFF  }
0xd1: {  	(tm) =	ssettm $0x7FFFFFFF  }
tec
execute0_lowered:
.L_overlay_start_1:
0x0: {  	(tag) =	ssettag $0x1  }
0x1: {  	s0 =	srdreg.scid;
	s2 =	rddreg [dreg:$0x0]  }
0x2: {  	s10 =	stileid.u32;
	s4 =	rddreg [dreg:$0x1]  }
0x3: {  	s3 =	simm.s32 $0x0;
	s31 =	simm.s32 $0xA00;
	s17 =	simm.s32 $0x1200  }
0x4: {  	s18 =	simm.s32 $0x1A00;
	s16 =	simm.s32 $0x2200;
	s19 =	simm.s32 $0x2A00  }
0x5: {  	s20 =	simm.s32 $0x3200;
	s21 =	simm.s32 $0x3A00;
	s22 =	simm.s32 $0x4200  }
0x6: {  	s23 =	simm.s32 $0x4A00;
	s25 =	simm.s32 $0x5200;
	s28 =	simm.s32 $0x6200  }
0x7: {  	s24 =	simm.s32 $0x6A00;
	s29 =	simm.s32 $0x7200;
	s30 =	simm.s32 $0x7A00  }
0x8: {  	s12 =	simm.s32 $0xAA00;
	s11 =	simm.s32 $0x2;
	s13 =	simm.s32 $0x3  }
0x9: {  	s0 =	sand.u32 $0x1, s0;
	s1 =	sshll.u32 s10, $0x1;
	s10 =	smul.u32 $0x99000, s10  }
0xa: {  	s1 =	sor.u32 s0, s1;
	s6 =	ssub.s32 $0x2, s0;
	s0 =	smul.u32 $0x4C800, s0  }
0xb: {  	s14 =	simm.s32 $0x4;
	[smem:$0x7FF] =	sst s3;
	s5 =	smul.u32 $0x990, s1  }
0xc: {  	s15 =	simm.s32 $0x0;
	_ =	strace $0x80000053;
	s8 =	smul.u32 $0x4C800, s1  }
0xd: {  	[dreg:$0x8] =	wrdreg s15;
	s7 =	sshrl.u32 s6, $0x1;
	s1 =	smul.u32 $0x264000, s1  }
0xe: {  	s9 =	ssub.s32 s6, s7;
	s6 =	sadd.s32 $0x200, s2;
	s7 =	sadd.s32 $0x300, s2  }
0xf: {  	s5 =	sshrl.u32 s5, $0x3;
	s1 =	sshrl.u32 s1, $0x3;
	s26 =	smax.u32 s9, $0x1  }
0x10: {  	s9 =	simm.s32 $0xA200;
	s5 =	sadd.s32 s5, s4;
	s4 =	sadd.s32 $0x27E00, s4  }
0x11: {  	[dreg:$0x7] =	wrdreg s26;
	s26 =	simm.s32 $0x5A00;
	s5 =	sadd.s32 $0x5200, s5  }
0x12: {  	s10 =	sadd.s32 s10, s4;
	s8 =	sadd.s32 s4, s8;
	s1 =	sadd.s32 s4, s1  }
0x13: {  	s4 =	simm.s32 $0x9200;
	[dreg:$0x4] =	wrdreg s5;
	s5 =	sadd.s32 $0x100, s2  }
0x14: {  	v2 =	vlaneseq.u32;
	[dreg:$0x5] =	wrdreg s8;
	s0 =	sadd.s32 s0, s10;
	s1 =	sadd.s32 $0xC00, s1  }
0x15: {  	vm0 =	vmmov $0xffff;
	v1 =	vshrl.u32 v2, $0x3;
	s8 =	simm.s32 $0x9A00;
	s10 =	simm.s32 $0x1;
	[dreg:$0x6] =	wrdreg s1  }
0x16: {  	v0 =	vand.u32 $0x7, v2;
	v2 =	vor.u32 $0x8, v2;
	v1 =	vmul.u32 $0x8, v1;
	[dreg:$0x3] =	wrdreg s0;
	s1 =	simm.s32 $0x8200;
	s0 =	simm.s32 $0x8A00  }
.LBB2_1:
0x17: {  	s15 =	rddreg [dreg:$0x4]  }
0x18: {  	[tilespmem:s3], [sflag:$0x5] =	stream.linear.gather [hbm4b:s15+s3], $0x990, $0x38;
	[tilespmem:$0xCA00] =	vst v63  }
0x19: {  	s15 =	simm.s32 $0x5  }
0x1a: {  	_ =	swait.ge [sflag:s15], $0x990  }
0x1b: {  	[sflag:s15] =	ssyncset.done $0x0  }
0x1c: {  	[sflag:s15] =	ssyncadd.s32 $0xFFFFF670  }
0x1d: {  	v3 =	vld [tilespmem:$0x0];
	_ =	sdelay $0x4  }
0x1e: {  	v4 =	vshll.u32 v3, $0x3  }
0x1f: {  	v3 =	vand.u32 $0x7, v3;
	v4 =	vand.u32 $0xFFFFFFC0, v4  }
0x20: {  	v3 =	vor.u32 v3, v4  }
0x21: {  	v4 =	vperm.xlane v3, v0;
	_ =	sdelay $0x1  }
0x22: {  	v4 =	vadd.s32 v1, v4;
	_ =	sdelay $0x4  }
0x23: {  	[tilespmem:s31], [sflag:$0x1] =	stream.indirect_vreg.gather [hbm4b:s2+s3], $0x80, v4, vm0, $0xb8;
	[tilespmem:$0xCA00] =	vst v63  }
0x24: {  	v3 =	vperm.xlane v3, v2  }
0x25: {  	[tilespmem:s17], [sflag:$0x1] =	stream.indirect_vreg.gather [hbm4b:s5+s3], $0x80, v4, vm0, $0xb8;
	[tilespmem:$0xCA00] =	vst v63  }
0x26: {  	v3 =	vadd.s32 v1, v3  }
0x27: {  	[tilespmem:s18], [sflag:$0x1] =	stream.indirect_vreg.gather [hbm4b:s6+s3], $0x80, v4, vm0, $0xb8;
	[tilespmem:$0xCA00] =	vst v63  }
0x28: {  	_ = 	snop  }
0x29: {  	[tilespmem:s16], [sflag:$0x1] =	stream.indirect_vreg.gather [hbm4b:s7+s3], $0x80, v4, vm0, $0xb8;
	[tilespmem:$0xCA00] =	vst v63  }
0x2a: {  	_ = 	snop  }
0x2b: {  	[tilespmem:s19], [sflag:$0x1] =	stream.indirect_vreg.gather [hbm4b:s2+s3], $0x80, v3, vm0, $0xb8;
	[tilespmem:$0xCA00] =	vst v63  }
0x2c: {  	_ = 	snop  }
0x2d: {  	[tilespmem:s20], [sflag:$0x1] =	stream.indirect_vreg.gather [hbm4b:s5+s3], $0x80, v3, vm0, $0xb8;
	[tilespmem:$0xCA00] =	vst v63  }
0x2e: {  	_ = 	snop  }
0x2f: {  	[tilespmem:s21], [sflag:$0x1] =	stream.indirect_vreg.gather [hbm4b:s6+s3], $0x80, v3, vm0, $0xb8;
	[tilespmem:$0xCA00] =	vst v63  }
0x30: {  	_ = 	snop  }
0x31: {  	[tilespmem:s22], [sflag:$0x1] =	stream.indirect_vreg.gather [hbm4b:s7+s3], $0x80, v3, vm0, $0xb8;
	[tilespmem:$0xCA00] =	vst v63  }
0x32: {  	v3 =	vld.msk [tilespmem:$0x10], $0xff;
	_ =	sdelay $0x4  }
0x33: {  	v61 =	vshll.u32 v3, $0x3  }
0x34: {  	v3 =	vand.u32 $0x7, v3;
	v4 =	vand.u32 $0xFFFFFFC0, v61  }
0x35: {  	v3 =	vor.u32 v3, v4  }
0x36: {  	v3 =	vperm.xlane v3, v0;
	_ =	sdelay $0x1  }
0x37: {  	v3 =	vadd.s32 v1, v3;
	_ =	sdelay $0x4  }
0x38: {  	[tilespmem:s23], [sflag:$0x1] =	stream.indirect_vreg.gather [hbm4b:s2+s3], $0x80, v3, vm0, $0xb8;
	[tilespmem:$0xCA00] =	vst v63  }
0x39: {  	_ = 	snop  }
0x3a: {  	[tilespmem:s25], [sflag:$0x1] =	stream.indirect_vreg.gather [hbm4b:s5+s3], $0x80, v3, vm0, $0xb8;
	[tilespmem:$0xCA00] =	vst v63  }
0x3b: {  	_ = 	snop  }
0x3c: {  	[tilespmem:s26], [sflag:$0x1] =	stream.indirect_vreg.gather [hbm4b:s6+s3], $0x80, v3, vm0, $0xb8;
	[tilespmem:$0xCA00] =	vst v63  }
0x3d: {  	_ = 	snop  }
0x3e: {  	[tilespmem:s28], [sflag:$0x1] =	stream.indirect_vreg.gather [hbm4b:s7+s3], $0x80, v3, vm0, $0xb8;
	[tilespmem:$0xCA00] =	vst v63  }
0x3f: {  	v3 =	vld [tilespmem:$0x18];
	_ =	sdelay $0x4  }
0x40: {  	v62 =	vshll.u32 v3, $0x3  }
0x41: {  	v3 =	vand.u32 $0x7, v3;
	v4 =	vand.u32 $0xFFFFFFC0, v62  }
0x42: {  	v3 =	vor.u32 v3, v4  }
0x43: {  	v4 =	vperm.xlane v3, v0;
	_ =	sdelay $0x1  }
0x44: {  	v4 =	vadd.s32 v1, v4;
	_ =	sdelay $0x4  }
0x45: {  	[tilespmem:s24], [sflag:$0x2] =	stream.indirect_vreg.gather [hbm4b:s2+s3], $0x80, v4, vm0, $0xb8;
	[tilespmem:$0xCA00] =	vst v63  }
0x46: {  	v3 =	vperm.xlane v3, v2  }
0x47: {  	[tilespmem:s29], [sflag:$0x2] =	stream.indirect_vreg.gather [hbm4b:s5+s3], $0x80, v4, vm0, $0xb8;
	[tilespmem:$0xCA00] =	vst v63  }
0x48: {  	v3 =	vadd.s32 v1, v3  }
0x49: {  	[tilespmem:s30], [sflag:$0x2] =	stream.indirect_vreg.gather [hbm4b:s6+s3], $0x80, v4, vm0, $0xb8;
	[tilespmem:$0xCA00] =	vst v63  }
0x4a: {  	_ = 	snop  }
0x4b: {  	[tilespmem:s1], [sflag:$0x2] =	stream.indirect_vreg.gather [hbm4b:s7+s3], $0x80, v4, vm0, $0xb8;
	[tilespmem:$0xCA00] =	vst v63  }
0x4c: {  	_ = 	snop  }
0x4d: {  	[tilespmem:s0], [sflag:$0x2] =	stream.indirect_vreg.gather [hbm4b:s2+s3], $0x80, v3, vm0, $0xb8;
	[tilespmem:$0xCA00] =	vst v63  }
0x4e: {  	_ = 	snop  }
0x4f: {  	[tilespmem:s4], [sflag:$0x2] =	stream.indirect_vreg.gather [hbm4b:s5+s3], $0x80, v3, vm0, $0xb8;
	[tilespmem:$0xCA00] =	vst v63  }
0x50: {  	_ = 	snop  }
0x51: {  	[tilespmem:s8], [sflag:$0x2] =	stream.indirect_vreg.gather [hbm4b:s6+s3], $0x80, v3, vm0, $0xb8;
	[tilespmem:$0xCA00] =	vst v63  }
0x52: {  	_ = 	snop  }
0x53: {  	[tilespmem:s9], [sflag:$0x2] =	stream.indirect_vreg.gather [hbm4b:s7+s3], $0x80, v3, vm0, $0xb8;
	[tilespmem:$0xCA00] =	vst v63  }
0x54: {  	v3 =	vld.msk [tilespmem:$0x28], $0xff;
	_ =	sdelay $0x4  }
0x55: {  	v63 =	vshll.u32 v3, $0x3  }
0x56: {  	v3 =	vand.u32 $0x7, v3;
	v4 =	vand.u32 $0xFFFFFFC0, v63  }
0x57: {  	v3 =	vor.u32 v3, v4  }
0x58: {  	v3 =	vperm.xlane v3, v0;
	_ =	sdelay $0x1  }
0x59: {  	v3 =	vadd.s32 v1, v3;
	_ =	sdelay $0x4  }
0x5a: {  	[tilespmem:s12], [sflag:$0x2] =	stream.indirect_vreg.gather [hbm4b:s2+s3], $0x80, v3, vm0, $0xb8;
	[tilespmem:$0xCA00] =	vst v63  }
0x5b: {  	s15 =	simm.s32 $0xFFFB5000;
	s21 =	simm.s32 $0xB200  }
0x5c: {  	[tilespmem:s21], [sflag:$0x2] =	stream.indirect_vreg.gather [hbm4b:s5+s3], $0x80, v3, vm0, $0xb8;
	[tilespmem:$0xCA00] =	vst v63  }
0x5d: {  	s16 =	simm.s32 $0x58;
	s19 =	simm.s32 $0x2200;
	s22 =	simm.s32 $0xBA00  }
0x5e: {  	[tilespmem:s22], [sflag:$0x2] =	stream.indirect_vreg.gather [hbm4b:s6+s3], $0x80, v3, vm0, $0xb8;
	[tilespmem:$0xCA00] =	vst v63  }
0x5f: {  	s23 =	simm.s32 $0xC200;
	s28 =	simm.s32 $0x5A00;
	s29 =	simm.s32 $0x6200  }
0x60: {  	[tilespmem:s23], [sflag:$0x2] =	stream.indirect_vreg.gather [hbm4b:s7+s3], $0x80, v3, vm0, $0xb8;
	[tilespmem:$0xCA00] =	vst v63  }
0x61: {  	s30 =	simm.s32 $0x7200;
	s1 =	simm.s32 $0xA00;
	_ =	swait.ge [sflag:s10], $0x6000  }
0x62: {  	s0 =	simm.s32 $0x8A00;
	s4 =	simm.s32 $0x9200;
	[sflag:s10] =	ssyncset.done $0x0  }
0x63: {  	s8 =	simm.s32 $0x9A00;
	s25 =	rddreg [dreg:$0x5];
	[sflag:s10] =	ssyncadd.s32 $0xFFFFA000  }
0x64: {  	[hbm4b:s25+s3] =	stream.linear.scatter [tilespmem:s31], [sflag:$0x3], $0x6000, $0x38;
	[tilespmem:$0xCA00] =	vst v63  }
0x65: {  	s9 =	simm.s32 $0xA200;
	s12 =	simm.s32 $0xAA00;
	_ =	swait.ge [sflag:s11], $0x6000  }
0x66: {  	s21 =	simm.s32 $0x3200;
	s22 =	simm.s32 $0x3A00;
	[sflag:s11] =	ssyncset.done $0x0  }
0x67: {  	s23 =	simm.s32 $0x4200;
	s26 =	rddreg [dreg:$0x6];
	[sflag:s11] =	ssyncadd.s32 $0xFFFFA000  }
0x68: {  	[hbm4b:s26+s3] =	stream.linear.scatter [tilespmem:s24], [sflag:$0x4], $0x6000, $0x38;
	[tilespmem:$0xCA00] =	vst v63  }
0x69: {  	s31 =	simm.s32 $0x7A00;
	s25 =	simm.s32 $0x4A00;
	s26 =	simm.s32 $0x5200  }
.LBB2_2:
0x6a: {  	_ =	swait.ge [sflag:s13], $0x6000  }
0x6b: {  	[sflag:s13] =	ssyncset.done $0x0  }
0x6c: {  	[sflag:s13] =	ssyncadd.s32 $0xFFFFA000  }
0x6d: {  	v3 =	vld [tilespmem:s16+$0xFFFFFFD8];
	_ =	sdelay $0x4  }
0x6e: {  	v4 =	vshll.u32 v3, $0x3  }
0x6f: {  	v3 =	vand.u32 $0x7, v3;
	v4 =	vand.u32 $0xFFFFFFC0, v4  }
0x70: {  	v3 =	vor.u32 v3, v4  }
0x71: {  	v4 =	vperm.xlane v3, v0;
	_ =	sdelay $0x1  }
0x72: {  	v4 =	vadd.s32 v1, v4;
	_ =	sdelay $0x4  }
0x73: {  	[tilespmem:s1], [sflag:$0x1] =	stream.indirect_vreg.gather [hbm4b:s2+s3], $0x80, v4, vm0, $0xb8;
	[tilespmem:$0xCA00] =	vst v63  }
0x74: {  	v3 =	vperm.xlane v3, v2  }
0x75: {  	[tilespmem:s17], [sflag:$0x1] =	stream.indirect_vreg.gather [hbm4b:s5+s3], $0x80, v4, vm0, $0xb8;
	[tilespmem:$0xCA00] =	vst v63  }
0x76: {  	v3 =	vadd.s32 v1, v3  }
0x77: {  	[tilespmem:s18], [sflag:$0x1] =	stream.indirect_vreg.gather [hbm4b:s6+s3], $0x80, v4, vm0, $0xb8;
	[tilespmem:$0xCA00] =	vst v63  }
0x78: {  	_ = 	snop  }
0x79: {  	[tilespmem:s19], [sflag:$0x1] =	stream.indirect_vreg.gather [hbm4b:s7+s3], $0x80, v4, vm0, $0xb8;
	[tilespmem:$0xCA00] =	vst v63  }
0x7a: {  	s20 =	simm.s32 $0x2A00  }
0x7b: {  	[tilespmem:s20], [sflag:$0x1] =	stream.indirect_vreg.gather [hbm4b:s2+s3], $0x80, v3, vm0, $0xb8;
	[tilespmem:$0xCA00] =	vst v63  }
0x7c: {  	_ = 	snop  }
0x7d: {  	[tilespmem:s21], [sflag:$0x1] =	stream.indirect_vreg.gather [hbm4b:s5+s3], $0x80, v3, vm0, $0xb8;
	[tilespmem:$0xCA00] =	vst v63  }
0x7e: {  	_ = 	snop  }
0x7f: {  	[tilespmem:s22], [sflag:$0x1] =	stream.indirect_vreg.gather [hbm4b:s6+s3], $0x80, v3, vm0, $0xb8;
	[tilespmem:$0xCA00] =	vst v63  }
0x80: {  	_ = 	snop  }
0x81: {  	[tilespmem:s23], [sflag:$0x1] =	stream.indirect_vreg.gather [hbm4b:s7+s3], $0x80, v3, vm0, $0xb8;
	[tilespmem:$0xCA00] =	vst v63  }
0x82: {  	v3 =	vld.msk [tilespmem:s16+$0xFFFFFFE8], $0xff;
	_ =	sdelay $0x4  }
0x83: {  	v61 =	vshll.u32 v3, $0x3  }
0x84: {  	v3 =	vand.u32 $0x7, v3;
	v4 =	vand.u32 $0xFFFFFFC0, v61  }
0x85: {  	v3 =	vor.u32 v3, v4  }
0x86: {  	v3 =	vperm.xlane v3, v0;
	_ =	sdelay $0x1  }
0x87: {  	v3 =	vadd.s32 v1, v3;
	_ =	sdelay $0x4  }
0x88: {  	[tilespmem:s25], [sflag:$0x1] =	stream.indirect_vreg.gather [hbm4b:s2+s3], $0x80, v3, vm0, $0xb8;
	[tilespmem:$0xCA00] =	vst v63  }
0x89: {  	_ = 	snop  }
0x8a: {  	[tilespmem:s26], [sflag:$0x1] =	stream.indirect_vreg.gather [hbm4b:s5+s3], $0x80, v3, vm0, $0xb8;
	[tilespmem:$0xCA00] =	vst v63  }
0x8b: {  	_ = 	snop  }
0x8c: {  	[tilespmem:s28], [sflag:$0x1] =	stream.indirect_vreg.gather [hbm4b:s6+s3], $0x80, v3, vm0, $0xb8;
	[tilespmem:$0xCA00] =	vst v63  }
0x8d: {  	_ = 	snop  }
0x8e: {  	[tilespmem:s29], [sflag:$0x1] =	stream.indirect_vreg.gather [hbm4b:s7+s3], $0x80, v3, vm0, $0xb8;
	[tilespmem:$0xCA00] =	vst v63  }
0x8f: {  	_ =	swait.ge [sflag:s10], $0x6000  }
0x90: {  	s18 =	rddreg [dreg:$0x3]  }
0x91: {  	[sflag:s10] =	ssyncset.done $0x0;
	s17 =	sadd.s32 s15, s18  }
0x92: {  	[sflag:s10] =	ssyncadd.s32 $0xFFFFA000;
	s20 =	sadd.s32 $0x4C800, s17  }
0x93: {  	[hbm4b:s20+s3] =	stream.linear.scatter [tilespmem:s1], [sflag:$0x3], $0x6000, $0x38;
	[tilespmem:$0xCA00] =	vst v63  }
0x94: {  	_ =	swait.ge [sflag:s14], $0x6000  }
0x95: {  	[sflag:s14] =	ssyncset.done $0x0  }
0x96: {  	[sflag:s14] =	ssyncadd.s32 $0xFFFFA000  }
0x97: {  	v3 =	vld [tilespmem:s16+$0xFFFFFFF0];
	_ =	sdelay $0x4  }
0x98: {  	v62 =	vshll.u32 v3, $0x3  }
0x99: {  	v3 =	vand.u32 $0x7, v3;
	v4 =	vand.u32 $0xFFFFFFC0, v62  }
0x9a: {  	v3 =	vor.u32 v3, v4  }
0x9b: {  	v4 =	vperm.xlane v3, v0;
	_ =	sdelay $0x1  }
0x9c: {  	v4 =	vadd.s32 v1, v4;
	_ =	sdelay $0x4  }
0x9d: {  	[tilespmem:s24], [sflag:$0x2] =	stream.indirect_vreg.gather [hbm4b:s2+s3], $0x80, v4, vm0, $0xb8;
	[tilespmem:$0xCA00] =	vst v63  }
0x9e: {  	v3 =	vperm.xlane v3, v2  }
0x9f: {  	[tilespmem:s30], [sflag:$0x2] =	stream.indirect_vreg.gather [hbm4b:s5+s3], $0x80, v4, vm0, $0xb8;
	[tilespmem:$0xCA00] =	vst v63  }
0xa0: {  	v3 =	vadd.s32 v1, v3  }
0xa1: {  	[tilespmem:s31], [sflag:$0x2] =	stream.indirect_vreg.gather [hbm4b:s6+s3], $0x80, v4, vm0, $0xb8;
	[tilespmem:$0xCA00] =	vst v63  }
0xa2: {  	s20 =	simm.s32 $0x8200  }
0xa3: {  	[tilespmem:s20], [sflag:$0x2] =	stream.indirect_vreg.gather [hbm4b:s7+s3], $0x80, v4, vm0, $0xb8;
	[tilespmem:$0xCA00] =	vst v63  }
0xa4: {  	_ = 	snop  }
0xa5: {  	[tilespmem:s0], [sflag:$0x2] =	stream.indirect_vreg.gather [hbm4b:s2+s3], $0x80, v3, vm0, $0xb8;
	[tilespmem:$0xCA00] =	vst v63  }
0xa6: {  	_ = 	snop  }
0xa7: {  	[tilespmem:s4], [sflag:$0x2] =	stream.indirect_vreg.gather [hbm4b:s5+s3], $0x80, v3, vm0, $0xb8;
	[tilespmem:$0xCA00] =	vst v63  }
0xa8: {  	_ = 	snop  }
0xa9: {  	[tilespmem:s8], [sflag:$0x2] =	stream.indirect_vreg.gather [hbm4b:s6+s3], $0x80, v3, vm0, $0xb8;
	[tilespmem:$0xCA00] =	vst v63  }
0xaa: {  	_ = 	snop  }
0xab: {  	[tilespmem:s9], [sflag:$0x2] =	stream.indirect_vreg.gather [hbm4b:s7+s3], $0x80, v3, vm0, $0xb8;
	[tilespmem:$0xCA00] =	vst v63  }
0xac: {  	v3 =	vld.msk [tilespmem:s16+$0x0], $0xff;
	_ =	sdelay $0x4  }
0xad: {  	v63 =	vshll.u32 v3, $0x3  }
0xae: {  	v3 =	vand.u32 $0x7, v3;
	v4 =	vand.u32 $0xFFFFFFC0, v63  }
0xaf: {  	v3 =	vor.u32 v3, v4  }
0xb0: {  	v3 =	vperm.xlane v3, v0;
	_ =	sdelay $0x1  }
0xb1: {  	v3 =	vadd.s32 v1, v3;
	_ =	sdelay $0x4  }
0xb2: {  	[tilespmem:s12], [sflag:$0x2] =	stream.indirect_vreg.gather [hbm4b:s2+s3], $0x80, v3, vm0, $0xb8;
	[tilespmem:$0xCA00] =	vst v63  }
0xb3: {  	s20 =	simm.s32 $0xB200  }
0xb4: {  	[tilespmem:s20], [sflag:$0x2] =	stream.indirect_vreg.gather [hbm4b:s5+s3], $0x80, v3, vm0, $0xb8;
	[tilespmem:$0xCA00] =	vst v63  }
0xb5: {  	s20 =	simm.s32 $0xBA00  }
0xb6: {  	[tilespmem:s20], [sflag:$0x2] =	stream.indirect_vreg.gather [hbm4b:s6+s3], $0x80, v3, vm0, $0xb8;
	[tilespmem:$0xCA00] =	vst v63  }
0xb7: {  	p0 =	sne.s32 s15, $0xFFFFE800;
	s20 =	simm.s32 $0xC200  }
0xb8: {  	[tilespmem:s20], [sflag:$0x2] =	stream.indirect_vreg.gather [hbm4b:s7+s3], $0x80, v3, vm0, $0xb8;
	[tilespmem:$0xCA00] =	vst v63  }
.Ltmp0:
0xb9: {  	_ =	swait.ge [sflag:s11], $0x6000;
	(pc) =	sbr.rel @p0 .LBB2_2-.Ltmp0, $4  }
0xba: {  	[sflag:s11] =	ssyncset.done $0x0  }
0xbb: {  	s18 =	simm.s32 $0x1A00;
	s17 =	sadd.s32 $0x4D400, s17;
	[sflag:s11] =	ssyncadd.s32 $0xFFFFA000  }
0xbc: {  	[hbm4b:s17+s3] =	stream.linear.scatter [tilespmem:s24], [sflag:$0x4], $0x6000, $0x38;
	[tilespmem:$0xCA00] =	vst v63  }
0xbd: {  	s15 =	sadd.s32 $0x1800, s15;
	s16 =	sadd.s32 $0x30, s16;
	s17 =	simm.s32 $0x1200  }
0xbe: {  	_ =	swait.ge [sflag:s13], $0x6000  }
0xbf: {  	[sflag:s13] =	ssyncset.done $0x0  }
0xc0: {  	[sflag:s13] =	ssyncadd.s32 $0xFFFFA000  }
0xc1: {  	s16 =	simm.s32 $0x2200;
	s19 =	simm.s32 $0x2A00;
	_ =	swait.ge [sflag:s14], $0x6000  }
0xc2: {  	s20 =	simm.s32 $0x3200;
	s21 =	simm.s32 $0x3A00;
	s0 =	rddreg [dreg:$0x8]  }
0xc3: {  	s22 =	simm.s32 $0x4200;
	s15 =	rddreg [dreg:$0x7];
	s0 =	sadd.s32 $0x1, s0  }
0xc4: {  	s23 =	simm.s32 $0x4A00;
	s25 =	simm.s32 $0x5200;
	p0 =	sne.s32 s0, s15  }
.Ltmp1:
0xc5: {  	s26 =	simm.s32 $0x5A00;
	s28 =	simm.s32 $0x6200;
	(pc) =	sbr.rel @p0 .LBB2_1-.Ltmp1, $4  }
0xc6: {  	s29 =	simm.s32 $0x7200;
	s30 =	simm.s32 $0x7A00;
	s1 =	simm.s32 $0x8200  }
0xc7: {  	s4 =	simm.s32 $0x9200;
	s8 =	simm.s32 $0x9A00;
	s9 =	simm.s32 $0xA200  }
0xc8: {  	s12 =	simm.s32 $0xAA00;
	s31 =	simm.s32 $0xA00;
	[sflag:s14] =	ssyncset.done $0x0  }
0xc9: {  	[sflag:s14] =	ssyncadd.s32 $0xFFFFA000;
	[dreg:$0x8] =	wrdreg s0;
	s0 =	simm.s32 $0x8A00  }
0xca: {  	_ =	sfence.sel $0x180000  }
0xcb: {  	[bflag:$0x0] =	sbarrier.arrive $0xFFFF  }
0xcc: {  	_ =	strace $0x90000053  }
0xcd: {  	s0 =	stileid.u32;
	[bflag:$0x2] =	sbarrier.arrive $0xFFFF  }
0xce: {  	p0 =	sne.s32 s0, $0x0;
	s0 =	rddreg [dreg:$0x2]  }
0xcf: {  	s0 =	sadd.s32 @!p0 $0x100000, s0  }
0xd0: {  	[sflag:s0] =	ssyncadd.tile.s32 @!p0 $0x1;
	_ =	shalt  }
.Lfunc_end2:
_tile_overlayer_lowered:
.L_overlay_start_2:
0xd1: {  	(tag) =	ssettag $0x2  }
0xd2: {  	s0 =	rddreg [dreg:$0x0];
	s2 =	stileid.u32  }
0xd3: {  	s1 =	rddreg [dreg:$0x1];
	p0 =	sne.s32 s2, $0x0  }
0xd4: {  	s3 =	rddreg [dreg:$0x2];
	[bflag:$0x3] =	sbarrier.arrive $0xFFFF;
	s2 =	simm.s32 @!p0 $0x1C05  }
0xd5: {  	[timem:s3], [sflag:s2] =	dma.local @!p0 [hbm:s0], s1  }
0xd6: {  	s0 =	simm.s32 @!p0 $0x5  }
0xd7: {  	_ =	swait.ge @!p0 [sflag:s0], s1  }
0xd8: {  	s1 =	ssub.s32 @!p0 $0x0, s1;
	[sflag:s0] =	ssyncset.done @!p0 $0x0  }
0xd9: {  	[sflag:s0] =	ssyncadd.s32 @!p0 s1  }
0xda: {  	[bflag:$0x3] =	sbarrier.arrive $0xFFFF  }
0xdb: {  	_ =	shalt  }

// kernel: scatter_offload_async_start.1
scs
__scs_entry_jumppad:
0x0: {  	(pc) =	sbr.rel $0x88, $3  }
0x1: {  	(tag) =	ssettag $0x0;
	lr =	simm.s32 $0x1  }
0x2: {  	[smem:$0x3F98] =	sst lr;
	_ =	strace $0xD0000000  }
0x3: {  	_ = 	snop  }
0x4: {  	_ = 	snop  }
0x5: {  	_ = 	snop  }
0x6: {  	_ = 	snop  }
0x7: {  	_ = 	snop  }
__scs_overlays_trampoline_lowered:
0x8: {  	[smem:$0x3FA7] =	sst s0  }
0x9: {  	[smem:$0x3FA8] =	sst s1  }
0xa: {  	[smem:$0x3FA9] =	sst s2  }
0xb: {  	[smem:$0x3FAA] =	sst s3  }
0xc: {  	[smem:$0x3FAB] =	sst s4  }
0xd: {  	[smem:$0x3FAC] =	sst s5  }
0xe: {  	[smem:$0x3FAD] =	sst s6  }
0xf: {  	[smem:$0x3FAE] =	sst s7  }
0x10: {  	[smem:$0x3FAF] =	sst s8  }
0x11: {  	[smem:$0x3FB0] =	sst s9;
	s0 =	simm.s32 @!p0 $0x0  }
0x12: {  	s1 =	sld [smem:$0x3F96];
	s0 =	simm.s32 @p0 $0x1  }
0x13: {  	[smem:$0x3FB1] =	sst s0;
	s0 =	simm.s32 @!p1 $0x0  }
0x14: {  	s2 =	sld [smem:$0x3F95];
	s0 =	simm.s32 @p1 $0x1  }
0x15: {  	[smem:$0x3FB2] =	sst s0;
	s0 =	simm.s32 @!p2 $0x0  }
0x16: {  	s3 =	sld [smem:$0x3FDB];
	s0 =	simm.s32 @p2 $0x1  }
0x17: {  	s4 =	simm.s32 $0x1BF5;
	[smem:$0x3FB4] =	sst s0  }
0x18: {  	s0 =	sld [smem:$0x3F97];
	_ =	swait.ge [sflag:s4], $0x0  }
0x19: {  	s7 =	sld [smem:$0x3F98]  }
0x1a: {  	s8 =	sadd.s32 $0xFFFFE003, lr  }
0x1b: {  	s9 =	sadd.s32 $0xFFFFFEF7, lr;
	s5 =	simm.s32 $0xFFFFFFFF;
	p2 =	slt.u32 s8, $0xFFFFF086  }
0x1c: {  	p1 =	slt.u32 s9, $0xF7A;
	s5 =	simm.s32 @!p2 $0x0  }
0x1d: {  	s5 =	simm.s32 @p1 $0x1;
	p0 =	seq.s32 s7, s2  }
0x1e: {  	s7 =	smul.u32 @!p0 $0xF7A, s2;
	p2 =	seq.s32 @!p0 s5, $0x0  }
0x1f: {  	s9 =	smul.u32 $0xF7A, s1;
	s8 =	simm.s32 @!p0 $0x1BF5;
	p2 =	por !p2, p0  }
0x20: {  	[sflag:s8] =	ssyncset.s32 @!p0 $0xFFFFF086;
	s6 =	sadd.s32 @!p0 s3, s7;
	s7 =	simm.s32 @!p0 $0x108  }
0x21: {  	s3 =	sadd.s32 s3, s9;
	s6 =	sadd.s32 @!p0 $0x88, s6;
	s7 =	simm.s32 @p2 $0x1082  }
0x22: {  	[simem:s7], [sflag:s8] =	dma.local @!p0 [hbm:s6], $0xF7A  }
0x23: {  	s9 =	sor.u32 $0xD0000000, s2;
	s6 =	simm.s32 $0x108;
	_ =	swait.ge @!p0 [sflag:s8], $0x0  }
0x24: {  	s3 =	sadd.s32 $0x88, s3;
	s6 =	simm.s32 @!p1 $0x1082;
	[sflag:s4] =	ssyncset.s32 $0xFFFFF086  }
0x25: {  	[simem:s6], [sflag:s4] =	dma.local [hbm:s3], $0xF7A  }
0x26: {  	[smem:$0x3F98] =	sst s1;
	(tag) =	ssettag s2;
	_ =	strace s9  }
0x27: {  	s1 =	sld [smem:$0x3FA8]  }
0x28: {  	s2 =	sld [smem:$0x3FA9]  }
0x29: {  	s4 =	sld [smem:$0x3FAB]  }
0x2a: {  	p0 =	seq.s32 s5, $0x0;
	s5 =	sld [smem:$0x3FAC]  }
0x2b: {  	s6 =	sld [smem:$0x3FAD]  }
0x2c: {  	s7 =	sld [smem:$0x3FAE]  }
0x2d: {  	s3 =	simm.s32 $0x108;
	s8 =	sld [smem:$0x3FAF]  }
0x2e: {  	s3 =	simm.s32 @!p0 $0x1082;
	s9 =	sld [smem:$0x3FB0]  }
0x2f: {  	lr =	sadd.s32 s0, s3;
	s0 =	sld [smem:$0x3FA7]  }
0x30: {  	s3 =	sld [smem:$0x3FAA]  }
0x31: {  	[smem:$0x3FB3] =	sst s10  }
0x32: {  	s10 =	sld [smem:$0x3FB1];
	_ =	sdelay $0x3  }
0x33: {  	p0 =	seq.s32 s10, $0x1;
	s10 =	sld [smem:$0x3FB3];
	_ =	sdelay $0x3  }
0x34: {  	[smem:$0x3FB3] =	sst s10  }
0x35: {  	s10 =	sld [smem:$0x3FB2];
	_ =	sdelay $0x3  }
0x36: {  	p1 =	seq.s32 s10, $0x1;
	s10 =	sld [smem:$0x3FB3];
	_ =	sdelay $0x3  }
0x37: {  	[smem:$0x3FB3] =	sst s10  }
0x38: {  	s10 =	sld [smem:$0x3FB4]  }
0x39: {  	_ = 	snop;
	(pc) =	sbr.ind lr, $3  }
0x3a: {  	_ = 	snop  }
0x3b: {  	_ = 	snop  }
0x3c: {  	p2 =	seq.s32 s10, $0x1;
	s10 =	sld [smem:$0x3FB3]  }
0x3d: {  	_ =	shalt  }
0x3e: {  	_ =	shalt  }
0x3f: {  	_ =	shalt  }
0x40: {  	_ =	shalt  }
0x41: {  	_ =	shalt  }
0x42: {  	_ =	shalt  }
0x43: {  	_ =	shalt  }
0x44: {  	_ =	shalt  }
0x45: {  	_ =	shalt  }
0x46: {  	_ =	shalt  }
0x47: {  	_ =	shalt  }
0x48: {  	_ =	shalt  }
0x49: {  	_ =	shalt  }
0x4a: {  	_ =	shalt  }
0x4b: {  	_ =	shalt  }
0x4c: {  	_ =	shalt  }
0x4d: {  	_ =	shalt  }
0x4e: {  	_ =	shalt  }
0x4f: {  	_ =	shalt  }
0x50: {  	_ =	shalt  }
0x51: {  	_ =	shalt  }
0x52: {  	_ =	shalt  }
0x53: {  	_ =	shalt  }
0x54: {  	_ =	shalt  }
0x55: {  	_ =	shalt  }
0x56: {  	_ =	shalt  }
0x57: {  	_ =	shalt  }
0x58: {  	_ =	shalt  }
0x59: {  	_ =	shalt  }
0x5a: {  	_ =	shalt  }
0x5b: {  	_ =	shalt  }
0x5c: {  	_ =	shalt  }
0x5d: {  	_ =	shalt  }
0x5e: {  	_ =	shalt  }
0x5f: {  	_ =	shalt  }
0x60: {  	_ =	shalt  }
0x61: {  	_ =	shalt  }
0x62: {  	_ =	shalt  }
0x63: {  	_ =	shalt  }
0x64: {  	_ =	shalt  }
0x65: {  	_ =	shalt  }
0x66: {  	_ =	shalt  }
0x67: {  	_ =	shalt  }
0x68: {  	_ =	shalt  }
0x69: {  	_ =	shalt  }
0x6a: {  	_ =	shalt  }
0x6b: {  	_ =	shalt  }
0x6c: {  	_ =	shalt  }
0x6d: {  	_ =	shalt  }
0x6e: {  	_ =	shalt  }
0x6f: {  	_ =	shalt  }
0x70: {  	_ =	shalt  }
0x71: {  	_ =	shalt  }
0x72: {  	_ =	shalt  }
0x73: {  	_ =	shalt  }
0x74: {  	_ =	shalt  }
0x75: {  	_ =	shalt  }
0x76: {  	_ =	shalt  }
0x77: {  	_ =	shalt  }
0x78: {  	_ =	shalt  }
0x79: {  	_ =	shalt  }
0x7a: {  	_ =	shalt  }
0x7b: {  	_ =	shalt  }
0x7c: {  	_ =	shalt  }
0x7d: {  	_ =	shalt  }
0x7e: {  	_ =	shalt  }
0x7f: {  	_ =	shalt  }
0x80: {  	_ =	shalt  }
0x81: {  	_ =	shalt  }
0x82: {  	_ =	shalt  }
0x83: {  	_ =	shalt  }
0x84: {  	_ =	shalt  }
0x85: {  	_ =	shalt  }
0x86: {  	_ =	shalt  }
0x87: {  	_ =	shalt  }
.Lfunc_end0:
.L_simem_size_0:
called_computation.1_lowered:
.L_overlay_start_0:
0x88: {  	s0 =	sld [smem:$0x3FD9]  }
0x89: {  	s1 =	sld [smem:$0x3FFE];
	_ =	sdelay $0x3  }
0x8a: {  	s0 =	sadd.s32 s1, s0  }
0x8b: {  	[smem:$0x3FBF] =	sst s0  }
0x8c: {  	_ = 	snop  }
0x8d: {  	(tm) =	ssettm $0x1  }
0x8e: {  	s15 =	sld [smem:$0x3FFB];
	_ =	sdelay $0x3  }
0x8f: {  	_ =	strace s15  }
0x90: {  	s0 =	sld [smem:$0x3FFC];
	_ =	sdelay $0x3  }
0x91: {  	_ =	strace s0  }
0x92: {  	s0 =	sld [smem:$0x3FFD];
	_ =	sdelay $0x3  }
0x93: {  	_ =	strace s0  }
0x94: {  	_ =	strace $0x8FFFFFFF  }
0x95: {  	s16 =	sld [smem:$0x3FDB];
	_ =	sdelay $0x1  }
0x96: {  	s17 =	simm.s32 $_scs_section_size  }
0x97: {  	s2 =	simm.s32 $_size__tile_overlayer_lowered;
	s3 =	simm.s32 $_tile_overlayer_lowered  }
0x98: {  	s20 =	simm.s32 $0x1BFF;
	s19 =	sshll.u32 s3, $0x1;
	s0 =	sadd.s32 s17, s16  }
0x99: {  	s4 =	simm.s32 $0x0;
	s18 =	sshll.u32 s2, $0x1;
	s2 =	sadd.s32 s19, s0  }
0x9a: {  	[timem:s4], [sflag:s20] =	dma.local [hbm:s2], s18  }
0x9b: {  	_ =	swait.ge [sflag:s20], s18  }
0x9c: {  	s1 =	ssub.s32 $0x0, s18;
	[sflag:s20] =	ssyncset.done $0x0  }
0x9d: {  	[sflag:s20] =	ssyncadd.s32 s1;
	_ =	sdelay $0x1  }
0x9e: {  	s21 =	simm.s32 $0x1B8B  }
0x9f: {  	_ =	swait.ge [sflag:s21], $0x1  }
0xa0: {  	[sflag:s21] =	ssyncset.done $0x0  }
0xa1: {  	s23 =	simm.s32 $0x1B8E;
	s22 =	sld [smem:$0x3FFE];
	[sflag:s21] =	ssyncadd.s32 $0xFFFFFFFF  }
0xa2: {  	s24 =	simm.s32 $execute0_lowered;
	[smem:$0x3FD2] =	sst s23  }
0xa3: {  	s2 =	sshll.u32 s24, $0x1;
	_ =	strace $0x80000055;
	[dreg:$0x1] =	wrdreg $0xFFFFFFFF  }
0xa4: {  	s25 =	simm.s32 $_size_execute0_lowered;
	s0 =	sadd.s32 s0, s2;
	[dreg:$0x0] =	wrdreg $0x0  }
0xa5: {  	s2 =	sshll.u32 s25, $0x1;
	[dreg:$0x2] =	wrdreg s0  }
0xa6: {  	[dreg:$0x3] =	wrdreg s2  }
0xa7: {  	[dreg:$0x4] =	wrdreg $0xC0  }
0xa8: {  	_ =	task [dreg:s4], $0x5FFFF  }
0xa9: {  	[dreg:$0x1] =	wrdreg $0xFFFFFFFF  }
0xaa: {  	[dreg:$0x0] =	wrdreg $0x60  }
0xab: {  	[dreg:$0x2] =	wrdreg s22  }
0xac: {  	[dreg:$0x3] =	wrdreg $0x9  }
0xad: {  	_ =	task.clear_ibuf [dreg:s4], $0x4FFFF;
	_ =	strace $0x90000055  }
0xae: {  	s26 =	simm.s32 $0x9;
	_ =	strace $0x80000057  }
0xaf: {  	_ =	swait.ge [sflag:s26], $0x1  }
0xb0: {  	[sflag:s26] =	ssyncadd.s32 $0xFFFFFFFF  }
0xb1: {  	_ =	strace $0x90000057  }
0xb2: {  	_ =	sfence  }
0xb3: {  	s28 =	sld [smem:$0x0];
	_ =	sdelay $0x1  }
0xb4: {  	s29 =	srdreg.scid  }
0xb5: {  	s30 =	sshll.u32 s29, $0xD;
	s31 =	sshrl.u32 s29, $0x2  }
0xb6: {  	s1 =	sand.u32 $0x1, s29;
	s2 =	sand.u32 $0x4000, s30;
	s0 =	sadd.s32 s31, s28  }
0xb7: {  	s1 =	sor.u32 s2, s1;
	s0 =	sshll.u32 s0, $0x11  }
0xb8: {  	s0 =	sor.u32 s0, s1  }
0xb9: {  	s0 =	sadd.s32 $0x8F2B, s0  }
0xba: {  	[sflag:s0] =	ssyncadd.remote.s32 $0x1  }
0xbb: {  	_ =	sfence.sel $0xFFFF  }
0xbc: {  	[dreg:$0x0] =	wrdreg $0xFFFFFFFF;
	(pc) =	sbr.abs _section_cstart, $3  }
0xbd: {  	[dreg:$0x1] =	wrdreg $0xFFFFFFFF  }
0xbe: {  	_ =	task.clear_ibuf [dreg:s4], $0x2FFFF;
	_ =	strace $0x9FFFFFFF  }
0xbf: {  	(tm) =	ssettm $0x7FFFFFFF  }
tec
execute0_lowered:
.L_overlay_start_1:
0x0: {  	(tag) =	ssettag $0x1  }
0x1: {  	s0 =	rddreg [dreg:$0x0];
	_ =	strace $0x80000056;
	s3 =	simm.s32 $0x1  }
0x2: {  	v1 =	vimm.s32 $0xFFFFFFFF;
	[sflag:s3] =	ssyncpa.u1 $0x0  }
0x3: {  	[tilespmem:$0x10] =	vst v1  }
0x4: {  	v0 =	vimm.f32 $0.0e+00;
	[tilespmem:$0x20] =	vst v1  }
0x5: {  	[tilespmem:$0x30] =	vst v0  }
0x6: {  	s2 =	simm.s32 $0x2;
	s26 =	stileid.u32;
	s5 =	simm.s32 $0x7;
	[tilespmem:$0x40] =	vst v0  }
0x7: {  	s7 =	simm.s32 $0x8;
	s31 =	simm.s32 $0x9;
	s14 =	simm.s32 $0x0;
	[tilespmem:$0x50] =	vst v0  }
0x8: {  	s15 =	simm.s32 $0x100;
	s18 =	simm.s32 $0x10;
	s19 =	simm.s32 $0xAD20;
	[tilespmem:$0x60] =	vst v1  }
0x9: {  	s20 =	simm.s32 $0xF;
	s21 =	simm.s32 $0x50;
	s22 =	simm.s32 $0x4D7F;
	[tilespmem:$0x70] =	vst v1  }
0xa: {  	s23 =	simm.s32 $0x20;
	s24 =	simm.s32 $0x30;
	s25 =	simm.s32 $0x99FF;
	[tilespmem:$0x80] =	vst v1  }
0xb: {  	s30 =	simm.s32 $0x0;
	s29 =	simm.s32 $0x0;
	s6 =	smul.u32 $0x1320, s26;
	v1 =	vimm.s32 $0x0;
	[tilespmem:$0xB0] =	vst v0  }
.Ltmp0:
0xc: {  	s1 =	sadd.s32 $0x2A00, s0;
	s4 =	sadd.s32 $0x200, s0;
	[tilespmem:$0x90] =	vst v1;
	(pc) =	sbr.rel .LBB2_1-.Ltmp0, $4  }
0xd: {  	s8 =	sadd.s32 $0x7A00, s0;
	s10 =	sshll.u32 s26, $0x1;
	[tilespmem:$0xA0] =	vst v1;
	[sflag:s2] =	ssyncpa.u1 $0x0  }
0xe: {  	s12 =	sshllo.u32 s26, $0x1;
	s26 =	simm.s32 $0x80;
	[sflag:s5] =	ssyncpa.u1 $0x0  }
0xf: {  	vm0 =	vmmov $0xffff;
	v2 =	vlaneseq.u32;
	s11 =	sor.u32 $0x81, s10;
	s13 =	sor.u32 $0x80, s10;
	[sflag:s7] =	ssyncpa.u1 $0x0  }
0x10: {  	vm1 =	vmxor vm1, vm1;
	vm2 =	vmmov $0x1;
	vm3 =	vcmask $0x3F3C;
	s9 =	sadd.s32 $0x1320, s6;
	s28 =	smov.u32 s6;
	[sflag:s31] =	ssyncpa.u1 $0x0  }
.LBB2_3:
0x11: {  	s0 =	sshrl.u32 s28, $0x3  }
0x12: {  	s2 =	sand.u32 $0x7, s28;
	s0 =	sadd.s32 s4, s0  }
0x13: {  	[tilespmem:s15], [sflag:$0x7] =	stream.linear.gather [hbm4b:s0+s2], $0x1320, $0x38;
	[tilespmem:$0xAD40] =	vst v63  }
.LBB2_4:
0x14: {  	s0 =	sadd.s32 $0x1320, s28  }
0x15: {  	s2 =	smov.u32 s6;
	s29 =	sadd.s32 $0x1, s29;
	p0 =	slt.s32 s0, s9  }
0x16: {  	s2 =	smov.u32 @p0 s0;
	p0 =	sne.s32 s29, $0x4  }
.Ltmp1:
0x17: {  	_ = 	snop;
	(pc) =	sbr.rel @!p0 .LBB2_13-.Ltmp1, $2  }
0x18: {  	_ =	sdelay $0x2  }
0x19: {  	s30 =	smov.u32 s28;
	s28 =	smov.u32 s2  }
.LBB2_1:
0x1a: {  	p0 =	sgt.s32 s29, $0x1  }
.Ltmp2:
0x1b: {  	_ = 	snop;
	(pc) =	sbr.rel @p0 .LBB2_11-.Ltmp2, $1  }
0x1c: {  	_ =	sdelay $0x3  }
0x1d: {  	p0 =	seq.s32 s29, $0x0  }
.Ltmp3:
0x1e: {  	_ = 	snop;
	(pc) =	sbr.rel @p0 .LBB2_3-.Ltmp3, $1  }
0x1f: {  	_ =	sdelay $0x3  }
0x20: {  	_ =	swait.ge [sflag:s5], $0x1320  }
0x21: {  	[sflag:s5] =	ssyncset.done $0x0  }
0x22: {  	[sflag:s5] =	ssyncadd.s32 $0xFFFFECE0;
	(ifvalue) =	ssetifvalue $0xFFFFFFFF;
	v3 =	vld.msk [tilespmem:s15+$0x0 ss:$0x1], $0xffff;
	_ =	sdelay $0x4  }
0x23: {  	v4 =	vperm.xlane v3, v1  }
0x24: {  	vm4 =	vlt.u32 v3, $0x1000  }
0x25: {  	v3 =	vnsel vm4, $0xFFFFFFFE, v3;
	vm4 =	vlt.u32 v4, $0x1000  }
0x26: {  	[tilespmem:$0x70] =	vst v3;
	v3 =	vnsel vm4, $0xFFFFFFFE, v4  }
0x27: {  	s17 =	simm.s32 $0x1410;
	[tilespmem:$0x80] =	vst v3  }
0x28: {  	v3 =	vld.msk [tilespmem:s17+$0x0 ss:$0x1], $0xffff;
	_ =	sdelay $0x4  }
0x29: {  	(xrf1) =	vunique.msk.u32 $0xffff, v3;
	_ =	sdelay $0xd  }
0x2a: {  	v4 =	vimm.s32 $0xFFFFFFFF;
	v5, _, _ =	vpop (xrf1)  }
0x2b: {  	vm5 =	vne.s32 v3, v4;
	vm4 =	veq.s32 v5, v2  }
0x2c: {  	vm6 =	vlt.u32 v3, $0x1000;
	vm4 =	vmand vm5, vm4  }
0x2d: {  	vm4 =	vmand vm6, vm4  }
0x2e: {  	v4 =	vnsel vm4, $0xFFFFFFFF, v3;
	_ =	sdelay $0x3  }
0x2f: {  	s0 =	simm.s32 $0x4D70;
	(ifvalue) =	ssetifvalue $0xFFFFFFFF  }
0x30: {  	v3 =	vperm.xlane v3, v1;
	[tilespmem:s0], [sflag:$0x8] =	stream.indirect_vreg.gather [hbm4b:s1+s14], $0x1, v4, vm0, $0x4038;
	v4 =	vnsel vm6, $0xFFFFFFFE, v4;
	[tilespmem:$0xAD40] =	vst v63  }
0x31: {  	s2 =	simm.s32 $0x0;
	s16 =	simm.s32 $0x1400;
	[tilespmem:s17+$0x0] =	vst v4  }
.LBB2_6:
0x32: {  	v4 =	vld.msk [tilespmem:s16+$0x0 ss:$0x1], $0xffff;
	s2 =	sadd.s32 $0x10, s2;
	v5 =	vmov v3;
	s17 =	smov.u32 s16  }
0x33: {  	p0 =	slt.u32 s2, $0x1310;
	_ =	sdelay $0x4  }
0x34: {  	v3 =	vperm.xlane v4, v1;
	(xrf1) =	vunique.msk.u32 $0xffff, v4;
	_ =	sdelay $0xd  }
0x35: {  	v6, _, _ =	vpop (xrf1)  }
0x36: {  	vm5 =	vne.s32 v4, v5;
	vm4 =	veq.s32 v6, v2  }
0x37: {  	vm6 =	vlt.u32 v4, $0x1000;
	vm4 =	vmand vm5, vm4  }
0x38: {  	vm4 =	vmand vm6, vm4  }
0x39: {  	v4 =	vnsel vm4, $0xFFFFFFFF, v4  }
.Ltmp4:
0x3a: {  	v5 =	vnsel vm6, $0xFFFFFFFE, v4;
	(pc) =	sbr.rel @p0 .LBB2_6-.Ltmp4, $3  }
0x3b: {  	_ =	sdelay $0x1  }
0x3c: {  	s16 =	sadd.s32 $0xFFFFFFF0, s16;
	s0 =	sadd.s32 $0xFFFFFFF0, s0;
	(ifvalue) =	ssetifvalue $0xFFFFFFFF  }
0x3d: {  	[tilespmem:s0], [sflag:$0x8] =	stream.indirect_vreg.gather [hbm4b:s1+s14], $0x1, v4, vm0, $0x4038;
	[tilespmem:s17+$0x0] =	vst v5  }
.Ltmp5:
0x3e: {  	(pc) =	sbr.rel .LBB2_4-.Ltmp5, $4  }
0x3f: {  	_ = 	snop  }
0x40: {  	s0 =	sshrl.u32 s30, $0x3  }
0x41: {  	s2 =	simm.s32 $0x60A0;
	s0 =	sadd.s32 s8, s0  }
0x42: {  	[tilespmem:s2], [sflag:$0x8] =	stream.linear.gather [hbm:s0], $0x1320, $0x38;
	[tilespmem:$0xAD40] =	vst v63  }
.LBB2_11:
0x43: {  	p0 =	seq.s32 s29, $0x2  }
.Ltmp6:
0x44: {  	_ = 	snop;
	(pc) =	sbr.rel @!p0 .LBB2_12-.Ltmp6, $1  }
0x45: {  	_ =	sdelay $0x3  }
0x46: {  	_ =	swait.ge [sflag:s7], $0x2640  }
0x47: {  	[sflag:s7] =	ssyncset.done $0x0  }
0x48: {  	s0 =	simm.s32 $0x141F;
	[sflag:s7] =	ssyncadd.s32 $0xFFFFD9C0  }
0x49: {  	[spmem:s11] =	stream.linear.scatter [tilespmem:s0], [sflag:$0x1], $0x1, $0x38;
	[tilespmem:$0xAD40] =	vst v63  }
0x4a: {  	_ =	swait.ge [sflag:s3], $0x1  }
0x4b: {  	[sflag:s3] =	ssyncset.done $0x0  }
0x4c: {  	[sflag:s3] =	ssyncadd.s32 $0xFFFFFFFF  }
0x4d: {  	v4 =	vld [tilespmem:$0x10]  }
0x4e: {  	v5 =	vld [tilespmem:$0x70]  }
0x4f: {  	v3 =	vld [tilespmem:$0x80];
	_ =	sdelay $0x2  }
0x50: {  	(v2sf) =	vpush v4, $0x0  }
0x51: {  	(v2sf) =	vpush v5, $0x0  }
0x52: {  	(v2sf) =	vpush v3, $0x0;
	_ =	sdelay $0xc  }
0x53: {  	s16 =	spop (v2sf)  }
0x54: {  	s2 =	spop (v2sf)  }
0x55: {  	s30 =	spop (v2sf)  }
0x56: {  	p0 =	seq.s32 s16, s2;
	p1 =	seq.s32 s30, s16  }
0x57: {  	p1 =	por p0, p1  }
0x58: {  	v4 =	vpsel p1, $0xFFFFFFFF, v4  }
0x59: {  	[tilespmem:s18+$0x0] =	vst.msk $0x1, v4  }
0x5a: {  	v4 =	vld [tilespmem:$0x30]  }
0x5b: {  	v5 =	vld [tilespmem:$0x60A0]  }
0x5c: {  	v6 =	vld [tilespmem:$0x40];
	_ =	sdelay $0x3  }
0x5d: {  	vm4 =	vmmov vm1;
	v5 =	vadd.f32 v5, v4  }
0x5e: {  	vm5 =	vmmov vm2;
	s31 =	simm.s32 $0x60A0;
	vm4 =	vmmov @p0 vm2;
	v4 =	vadd.f32 v6, v4  }
0x5f: {  	vm5 =	vmmov @p1 vm1;
	[tilespmem:s31+$0x0] =	vst.msk vm4, v5  }
0x60: {  	[tilespmem:s19+$0x0] =	vst.msk vm5, v4  }
0x61: {  	v4 =	vld [tilespmem:$0x4D70];
	_ =	sdelay $0x3  }
0x62: {  	v5 =	vimm.f32 $0.0e+00  }
0x63: {  	v4 =	vshift.insert v4, v5, s20;
	_ =	sdelay $0x1  }
0x64: {  	[tilespmem:s21+$0x0] =	vst.msk $0x1, v4  }
0x65: {  	[tilespmem:s22+$0x0] =	vst.msk $0x1, v5  }
0x66: {  	v4 =	vld [tilespmem:$0x1410];
	_ =	sdelay $0x4  }
0x67: {  	v4 =	vshift.insert v4, v1, s20;
	_ =	sdelay $0x1  }
0x68: {  	[tilespmem:s23+$0x0] =	vst.msk $0x1, v4  }
0x69: {  	s17 =	simm.s32 $0x100;
	v6 =	vld [tilespmem:s31+$0x0]  }
0x6a: {  	v7 =	vld [tilespmem:s17+$0x0];
	_ =	sdelay $0x3  }
0x6b: {  	v5 =	vadd.f32 v6, v5  }
0x6c: {  	vm4 =	vne.s32 v7, $0xFFFFFFFF  }
0x6d: {  	(xrf2) =	vadd.seg.scan.f32 vm4, v5;
	_ =	sdelay $0x3  }
0x6e: {  	s0 =	simm.s32 $0x3A60;
	v5 =	vperm.xlane v4, v1  }
0x6f: {  	v6 =	vld [tilespmem:s0+$0x0]  }
0x70: {  	vm5 =	veq.s32 v7, v3;
	vm6 =	veq.s32 v7, v5  }
0x71: {  	vm7 =	vgt.u32 v7, $0xFFFFFFFD;
	vm6 =	vmor vm6, vm5  }
0x72: {  	vm6 =	vmor vm6, vm7  }
0x73: {  	v9 =	vld [tilespmem:$0xA0];
	v7 =	vsel vm6, $0xFFFFFFFF, v7  }
0x74: {  	v10 =	vld [tilespmem:$0x90];
	v6 =	vsel vm5, $0x0, v6;
	v8, _, _ =	vpop (xrf2)  }
0x75: {  	v6 =	vadd.f32 v8, v6  }
0x76: {  	s2 =	simm.s32 $0x86E0  }
0x77: {  	vm4 =	vmand vm4, vm3;
	[tilespmem:s2+$0x0] =	vst v6;
	(ifvalue) =	ssetifvalue $0xFFFFFFFF  }
0x78: {  	vm6 =	veq.s32 v9, $0x1;
	[hbm4b:s1+s14] =	stream.indirect_vreg.scatter [tilespmem:s2], [sflag:$0x2], $0x1, v7, vm0, $0x4038;
	v7 =	vsel vm4, $0x0, v8;
	[tilespmem:$0xAD40] =	vst v63  }
0x79: {  	s16 =	simm.s32 $0x0;
	s17 =	simm.s32 $0x110;
	vm4 =	vmor vm6, vm5;
	v6 =	vsel vm5, v8, v10;
	v7 =	vshift.insert v7, v0, s20  }
.LBB2_9:
0x7a: {  	v8 =	vld [tilespmem:s17+$0x0];
	s31 =	sadd.s32 $0x10, s31  }
0x7b: {  	s0 =	sadd.s32 $0x10, s0;
	v9 =	vld [tilespmem:s31+$0x0]  }
0x7c: {  	s16 =	sadd.s32 $0x10, s16;
	v10 =	vld [tilespmem:s0+$0x0]  }
0x7d: {  	p0 =	slt.u32 s16, $0x1310;
	_ =	sdelay $0x2  }
0x7e: {  	v7 =	vadd.f32 v9, v7  }
0x7f: {  	vm5 =	vne.s32 v8, $0xFFFFFFFF  }
0x80: {  	vm6 =	vmand vm5, vm3;
	(xrf2) =	vadd.seg.scan.f32 vm5, v7;
	_ =	sdelay $0x5  }
0x81: {  	vm7 =	veq.s32 v8, v5;
	vm5 =	veq.s32 v8, v3  }
0x82: {  	vm8 =	vgt.u32 v8, $0xFFFFFFFD;
	vm4 =	vmor vm4, vm5;
	vm7 =	vmor vm7, vm5  }
0x83: {  	vm7 =	vmor vm7, vm8  }
0x84: {  	v8 =	vsel vm7, $0xFFFFFFFF, v8  }
.Ltmp7:
0x85: {  	v7 =	vsel vm5, $0x0, v10;
	v9, _, _ =	vpop (xrf2);
	(pc) =	sbr.rel @p0 .LBB2_9-.Ltmp7, $4  }
0x86: {  	v6 =	vsel vm5, v9, v6;
	v10 =	vadd.f32 v9, v7;
	v7 =	vsel vm6, $0x0, v9  }
0x87: {  	s2 =	sadd.s32 $0x10, s2;
	v7 =	vshift.insert v7, v0, s20  }
0x88: {  	s17 =	sadd.s32 $0x10, s17;
	[tilespmem:s2+$0x0] =	vst v10;
	(ifvalue) =	ssetifvalue $0xFFFFFFFF  }
0x89: {  	[hbm4b:s1+s14] =	stream.indirect_vreg.scatter [tilespmem:s2], [sflag:$0x2], $0x1, v8, vm0, $0x4038;
	[tilespmem:$0xAD40] =	vst v63  }
0x8a: {  	v3 =	vld [tilespmem:$0x99F0];
	_ =	sdelay $0x4  }
0x8b: {  	v3 =	vshift.insert v3, v0, s20;
	_ =	sdelay $0x1  }
0x8c: {  	[tilespmem:s24+$0x0] =	vst.msk $0x1, v3  }
0x8d: {  	v3 =	vsel vm4, $0x1, v1;
	[tilespmem:$0x90] =	vst v6  }
0x8e: {  	[tilespmem:$0xA0] =	vst v3  }
0x8f: {  	[spmem:s12] =	stream.linear.scatter [tilespmem:s25], [sflag:$0x1], $0x1, $0x38;
	[tilespmem:$0xAD40] =	vst v63  }
0x90: {  	v3 =	vmctz.xlane vm4;
	_ =	swait.ge [sflag:s3], $0x1  }
0x91: {  	(v2sf) =	vpush v4, $0x0  }
0x92: {  	(v2sf) =	vpush v3, $0x0;
	_ =	sdelay $0xd  }
0x93: {  	s0 =	spop (v2sf)  }
0x94: {  	s2 =	spop (v2sf)  }
0x95: {  	[sflag:s3] =	ssyncset.done $0x0;
	p0 =	sne.s32 s30, s0;
	p1 =	slt.s32 s2, $0xF  }
0x96: {  	[sflag:s3] =	ssyncadd.s32 $0xFFFFFFFF;
	v3 =	vimm.s32 @!p0 $0xFFFFFFFF;
	s2 =	simm.s32 @!p1 $0xF  }
0x97: {  	[tilespmem:$0x80] =	vst @!p0 v3;
	s31 =	sadd.s32 $0x90, s2  }
0x98: {  	[spmem:s10] =	stream.linear.scatter [tilespmem:s31], [sflag:$0x1], $0x1, $0x38;
	[tilespmem:$0xAD40] =	vst v63  }
0x99: {  	_ =	swait.ge [sflag:s3], $0x1  }
0x9a: {  	[sflag:s3] =	ssyncset.done $0x0  }
0x9b: {  	[sflag:s3] =	ssyncadd.s32 $0xFFFFFFFF  }
0x9c: {  	[spmem:s13] =	stream.linear.scatter [tilespmem:s26], [sflag:$0x1], $0x1, $0x38;
	[tilespmem:$0xAD40] =	vst v63  }
0x9d: {  	_ =	swait.ge [sflag:s3], $0x1  }
0x9e: {  	[sflag:s3] =	ssyncset.done $0x0  }
0x9f: {  	[sflag:s3] =	ssyncadd.s32 $0xFFFFFFFF;
	(ifvalue) =	ssetifvalue $0xFFFFFFFF;
	v3 =	vld [tilespmem:$0x10];
	_ =	sdelay $0x3  }
.Ltmp8:
0xa0: {  	_ = 	snop;
	(pc) =	sbr.rel .LBB2_4-.Ltmp8, $3  }
0xa1: {  	_ =	sdelay $0x1  }
0xa2: {  	(ifvalue) =	ssetifvalue $0xFFFFFFFF  }
0xa3: {  	[hbm4b:s1+s14] =	stream.indirect_vreg.scatter [tilespmem:s19], [sflag:$0x9], $0x1, v3, vm0, $0x4038;
	[tilespmem:$0xAD40] =	vst v63  }
.LBB2_12:
0xa4: {  	s0 =	simm.s32 $0x2  }
0xa5: {  	_ =	swait.ge [sflag:s0], $0x1320  }
0xa6: {  	[sflag:s0] =	ssyncset.done $0x0  }
0xa7: {  	s31 =	simm.s32 $0x9;
	[sflag:s0] =	ssyncadd.s32 $0xFFFFECE0  }
0xa8: {  	_ =	swait.ge [sflag:s31], $0x10  }
0xa9: {  	[sflag:s31] =	ssyncset.done $0x0  }
0xaa: {  	[sflag:s31] =	ssyncadd.s32 $0xFFFFFFF0  }
.LBB2_13:
0xab: {  	_ =	sfence.sel $0x180000  }
0xac: {  	s0 =	simm.s32 $0x7;
	[bflag:$0x0] =	sbarrier.arrive $0xFFFF  }
0xad: {  	s26 =	simm.s32 $0x8;
	[sflag:s0] =	ssyncpa.u1 $0x1  }
0xae: {  	s28 =	simm.s32 $0x9;
	[sflag:s26] =	ssyncpa.u1 $0x1  }
0xaf: {  	[sflag:s28] =	ssyncpa.u1 $0x1  }
0xb0: {  	_ =	sfence.stream.spmem  }
0xb1: {  	s29 =	simm.s32 $0x3;
	[bflag:$0x0] =	sbarrier.arrive $0xFFFF  }
0xb2: {  	s30 =	simm.s32 $0x4;
	[sflag:s29] =	ssyncpa.u1 $0x1  }
0xb3: {  	s31 =	simm.s32 $0x3C;
	s2 =	stileid.u32;
	[sflag:s30] =	ssyncpa.u1 $0x1  }
0xb4: {  	p0 =	sne.s32 s2, $0x0;
	[sflag:s31] =	ssyncpa.u1 $0x1  }
0xb5: {  	s0 =	simm.s32 @p0 $0x1;
	_ =	sfence @p0  }
0xb6: {  	[sflag:s0] =	ssyncpa.u1 @p0 $0x1;
	s0 =	simm.s32 @p0 $0x2  }
0xb7: {  	[sflag:s0] =	ssyncpa.u1 @p0 $0x1  }
0xb8: {  	_ =	strace @p0 $0x90000056  }
0xb9: {  	[bflag:$0x2] =	sbarrier.arrive @p0 $0xFFFF  }
0xba: {  	_ =	shalt @p0  }
.LBB2_14:
0xbb: {  	_ =	sfence.stream.spmem;
	s0 =	simm.s32 $0x5  }
0xbc: {  	s2 =	simm.s32 $0x80;
	s3 =	simm.s32 $0xC0;
	[sflag:s0] =	ssyncpa.u1 $0x0  }
0xbd: {  	[tilespmem:s3], [sflag:$0x5] =	stream.linear.gather [spmem:s2], $0x20, $0x38;
	[tilespmem:$0xAD40] =	vst v63  }
0xbe: {  	s2 =	simm.s32 $0x0;
	s3 =	simm.s32 $0xE0  }
0xbf: {  	[tilespmem:s3], [sflag:$0x5] =	stream.linear.gather [spmem:s2], $0x20, $0x38;
	[tilespmem:$0xAD40] =	vst v63  }
.Ltmp9:
0xc0: {  	_ = 	snop;
	(pc) =	sbr.rel .LBB2_15-.Ltmp9, $4  }
0xc1: {  	_ =	swait.ge [sflag:s0], $0x40  }
0xc2: {  	[sflag:s0] =	ssyncset.done $0x0  }
0xc3: {  	s31 =	simm.s32 $0x6;
	[sflag:s0] =	ssyncadd.s32 $0xFFFFFFC0  }
0xc4: {  	s4 =	simm.s32 $0x0;
	[sflag:s31] =	ssyncpa.u1 $0x0  }
.LBB2_20:
0xc5: {  	p0 =	sgt.u32 s0, $0xFFF  }
0xc6: {  	s5 =	sshrl.u32 @!p0 s0, $0x3  }
0xc7: {  	s0 =	sand.u32 @!p0 $0x7, s0;
	s6 =	simm.s32 @!p0 $0xB0;
	s5 =	sadd.s32 @!p0 s1, s5  }
0xc8: {  	[tilespmem:s6], [sflag:$0x6] =	stream.linear.gather @!p0 [hbm4b:s5+s0], $0x1, $0x38;
	[tilespmem:$0xAD40] =	vst v63  }
0xc9: {  	s0 =	simm.s32 @!p0 $0x6  }
0xca: {  	_ =	swait.ge @!p0 [sflag:s0], $0x1  }
0xcb: {  	[sflag:s0] =	ssyncset.done @!p0 $0x0  }
0xcc: {  	[sflag:s0] =	ssyncadd.s32 @!p0 $0xFFFFFFFF  }
0xcd: {  	v2 =	vmov @!p0 s4;
	v1 =	vld.msk @!p0 [tilespmem:$0xB0], $0x1;
	_ =	sdelay $0x3  }
0xce: {  	s0 =	simm.s32 @!p0 $0xE0  }
0xcf: {  	[tilespmem:v2+s0+$0x0], v1 =	vst.idx.ret.add.f32.msk @!p0 $0x1, v1  }
0xd0: {  	[tilespmem:s2+$0xC0] =	vst.msk $0x1, v0  }
0xd1: {  	v0 =	vld.msk [tilespmem:s4+$0xE0], $0x1;
	_ =	sdelay $0x4  }
0xd2: {  	[tilespmem:s2+$0xE0] =	vst.msk $0x1, v0;
	s2 =	sadd.s32 $0x1, s2  }
.LBB2_22:
0xd3: {  	s4 =	sadd.s32 $0x1, s4  }
0xd4: {  	p0 =	sne.s32 s4, $0x20  }
.Ltmp10:
0xd5: {  	_ = 	snop;
	(pc) =	sbr.rel @!p0 .LBB2_23-.Ltmp10, $1  }
0xd6: {  	_ =	sdelay $0x3  }
.LBB2_15:
0xd7: {  	v0 =	vld.msk [tilespmem:s4+$0xC0], $0x1;
	_ =	sdelay $0x4  }
0xd8: {  	(v2sf) =	vpush v0, $0x0;
	_ =	sdelay $0xe  }
0xd9: {  	s0 =	spop (v2sf)  }
0xda: {  	p0 =	seq.s32 s0, $0xFFFFFFFF  }
.Ltmp11:
0xdb: {  	_ = 	snop;
	(pc) =	sbr.rel @p0 .LBB2_22-.Ltmp11, $1  }
0xdc: {  	_ =	sdelay $0x3  }
0xdd: {  	p0 =	slt.s32 s2, $0x1  }
.Ltmp12:
0xde: {  	_ = 	snop;
	(pc) =	sbr.rel @p0 .LBB2_20-.Ltmp12, $1  }
0xdf: {  	_ =	sdelay $0x3  }
0xe0: {  	s5 =	simm.s32 $0xC0;
	p0 =	por $0x0, $0x0  }
0xe1: {  	v1 =	vld.msk @!p0 [tilespmem:s5+$0x0], $0x1;
	_ =	sdelay $0x4  }
0xe2: {  	(v2sf) =	vpush @!p0 v1, $0x0;
	_ =	sdelay $0xd  }
0xe3: {  	p2 =	sne.s32 s2, $0x1  }
.Ltmp13:
0xe4: {  	s6 =	spop @!p0 (v2sf);
	(pc) =	sbr.rel @!p2 .LBB2_19-.Ltmp13, $4  }
0xe5: {  	p1 =	seq.s32 @!p0 s0, s6  }
0xe6: {  	s6 =	simm.s32 $0x0;
	p1 =	por !p1, p0  }
0xe7: {  	s8 =	simm.s32 $0xFFFFFFFF;
	s6 =	simm.s32 @p1 $0xFFFFFFFF  }
0xe8: {  	s7 =	simm.s32 $0x1;
	s6 =	smov.u32 @p0 s8  }
.LBB2_18:
0xe9: {  	s8 =	smov.u32 s6;
	p0 =	sne.s32 s6, $0xFFFFFFFF  }
0xea: {  	s5 =	sadd.s32 $0x1, s5;
	s6 =	smov.u32 s7;
	s7 =	sadd.s32 $0x1, s7  }
0xeb: {  	p1 =	sne.s32 s2, s7;
	v1 =	vld.msk @!p0 [tilespmem:s5+$0x0], $0x1;
	_ =	sdelay $0x4  }
0xec: {  	(v2sf) =	vpush @!p0 v1, $0x0;
	_ =	sdelay $0xe  }
.Ltmp14:
0xed: {  	s9 =	spop @!p0 (v2sf);
	(pc) =	sbr.rel @p1 .LBB2_18-.Ltmp14, $4  }
0xee: {  	p2 =	seq.s32 @!p0 s0, s9  }
0xef: {  	p2 =	por !p2, p0  }
0xf0: {  	s6 =	simm.s32 @p2 $0xFFFFFFFF  }
0xf1: {  	s6 =	smov.u32 @p0 s8  }
.LBB2_19:
0xf2: {  	p0 =	sne.s32 s6, $0xFFFFFFFF  }
.Ltmp15:
0xf3: {  	_ = 	snop;
	(pc) =	sbr.rel @!p0 .LBB2_20-.Ltmp15, $1  }
0xf4: {  	_ =	sdelay $0x3  }
0xf5: {  	v0 =	vld.msk [tilespmem:s4+$0xE0], $0x1;
	v1 =	vmov s6  }
.Ltmp16:
0xf6: {  	_ = 	snop;
	(pc) =	sbr.rel .LBB2_22-.Ltmp16, $2  }
0xf7: {  	_ =	sdelay $0x2  }
0xf8: {  	[tilespmem:v1+s3+$0x0], v0 =	vst.idx.ret.add.f32.msk $0x1, v0  }
.LBB2_23:
0xf9: {  	p0 =	slt.s32 s2, $0x1  }
.Ltmp17:
0xfa: {  	_ = 	snop;
	(pc) =	sbr.rel @p0 .LBB2_27-.Ltmp17, $3  }
0xfb: {  	_ =	sdelay $0x1  }
0xfc: {  	s0 =	simm.s32 $0x6  }
0xfd: {  	[sflag:s0] =	ssyncpa.u1 $0x1;
	s0 =	simm.s32 $0x0  }
0xfe: {  	s3 =	simm.s32 $0xC0  }
0xff: {  	v0 =	vld.msk [tilespmem:s3+$0x0], $0x1;
	_ =	sdelay $0x4  }
0x100: {  	(v2sf) =	vpush v0, $0x0;
	_ =	sdelay $0xe  }
0x101: {  	s2 =	sadd.s32 $0xFFFFFFFF, s2;
	s4 =	spop (v2sf)  }
0x102: {  	p1 =	sne.s32 s2, $0x0;
	p0 =	sgt.u32 s4, $0xFFF  }
.Ltmp18:
0x103: {  	s5 =	sshrl.u32 @!p0 s4, $0x3;
	(pc) =	sbr.rel @!p1 .LBB2_26-.Ltmp18, $4  }
0x104: {  	s3 =	simm.s32 $0xE0;
	s4 =	sand.u32 @!p0 $0x7, s4;
	s5 =	sadd.s32 @!p0 s1, s5  }
0x105: {  	[hbm4b:s5+s4] =	stream.linear.scatter @!p0 [tilespmem:s3], [sflag:$0x5], $0x1, $0x38;
	[tilespmem:$0xAD40] =	vst v63  }
0x106: {  	s5 =	simm.s32 $0x0  }
0x107: {  	s4 =	simm.s32 $0xC1;
	s5 =	simm.s32 @!p0 $0x4  }
.LBB2_25:
0x108: {  	v0 =	vld.msk [tilespmem:s4+$0x0], $0x1;
	s2 =	sadd.s32 $0xFFFFFFFF, s2;
	s0 =	sadd.s32 s0, s5  }
0x109: {  	p0 =	sne.s32 s2, $0x0;
	_ =	sdelay $0x3  }
0x10a: {  	(v2sf) =	vpush v0, $0x0;
	_ =	sdelay $0xe  }
.Ltmp19:
0x10b: {  	s6 =	spop (v2sf);
	(pc) =	sbr.rel @p0 .LBB2_25-.Ltmp19, $4  }
0x10c: {  	s5 =	simm.s32 $0x0;
	p1 =	sgt.u32 s6, $0xFFF  }
0x10d: {  	s3 =	sadd.s32 $0x1, s3;
	s5 =	simm.s32 @!p1 $0x4;
	s7 =	sshrl.u32 @!p1 s6, $0x3  }
0x10e: {  	s4 =	sadd.s32 $0x1, s4;
	s6 =	sand.u32 @!p1 $0x7, s6;
	s7 =	sadd.s32 @!p1 s1, s7  }
0x10f: {  	[hbm4b:s7+s6] =	stream.linear.scatter @!p1 [tilespmem:s3], [sflag:$0x5], $0x1, $0x38;
	[tilespmem:$0xAD40] =	vst v63  }
.LBB2_26:
0x110: {  	s0 =	sadd.s32 s0, s5  }
0x111: {  	s0 =	sshrl.u32 s0, $0x2  }
.LBB2_27:
0x112: {  	s1 =	simm.s32 $0x5  }
0x113: {  	_ =	swait.ge [sflag:s1], s0  }
0x114: {  	s28 =	ssub.s32 $0x0, s0;
	[sflag:s1] =	ssyncset.done $0x0  }
0x115: {  	[sflag:s1] =	ssyncadd.s32 s28  }
0x116: {  	[sflag:s1] =	ssyncpa.u1 $0x1  }
0x117: {  	s29 =	simm.s32 $0x1;
	_ =	sfence  }
0x118: {  	s30 =	simm.s32 $0x2;
	[sflag:s29] =	ssyncpa.u1 $0x1  }
0x119: {  	[sflag:s30] =	ssyncpa.u1 $0x1  }
0x11a: {  	_ =	strace $0x90000056  }
0x11b: {  	[bflag:$0x2] =	sbarrier.arrive $0xFFFF  }
0x11c: {  	s31 =	rddreg [dreg:$0x1]  }
0x11d: {  	s0 =	sadd.s32 $0x100000, s31  }
0x11e: {  	[sflag:s0] =	ssyncadd.tile.s32 $0x1;
	_ =	shalt  }
.Lfunc_end2:
_tile_overlayer_lowered:
.L_overlay_start_2:
0x11f: {  	(tag) =	ssettag $0x2  }
0x120: {  	s0 =	rddreg [dreg:$0x0];
	s2 =	stileid.u32  }
0x121: {  	s1 =	rddreg [dreg:$0x1];
	p0 =	sne.s32 s2, $0x0  }
0x122: {  	s3 =	rddreg [dreg:$0x2];
	[bflag:$0x3] =	sbarrier.arrive $0xFFFF;
	s2 =	simm.s32 @!p0 $0x1C01  }
0x123: {  	[timem:s3], [sflag:s2] =	dma.local @!p0 [hbm:s0], s1  }
0x124: {  	s0 =	simm.s32 @!p0 $0x1  }
0x125: {  	_ =	swait.ge @!p0 [sflag:s0], s1  }
0x126: {  	s1 =	ssub.s32 @!p0 $0x0, s1;
	[sflag:s0] =	ssyncset.done @!p0 $0x0  }
0x127: {  	[sflag:s0] =	ssyncadd.s32 @!p0 s1  }
0x128: {  	[bflag:$0x3] =	sbarrier.arrive $0xFFFF  }
0x129: {  	_ =	shalt  }

// kernel: scatter_offload_async_start
scs
__scs_entry_jumppad:
0x0: {  	(pc) =	sbr.rel $0x88, $3  }
0x1: {  	(tag) =	ssettag $0x0;
	lr =	simm.s32 $0x1  }
0x2: {  	[smem:$0x3F98] =	sst lr;
	_ =	strace $0xD0000000  }
0x3: {  	_ = 	snop  }
0x4: {  	_ = 	snop  }
0x5: {  	_ = 	snop  }
0x6: {  	_ = 	snop  }
0x7: {  	_ = 	snop  }
__scs_overlays_trampoline_lowered:
0x8: {  	[smem:$0x3FA7] =	sst s0  }
0x9: {  	[smem:$0x3FA8] =	sst s1  }
0xa: {  	[smem:$0x3FA9] =	sst s2  }
0xb: {  	[smem:$0x3FAA] =	sst s3  }
0xc: {  	[smem:$0x3FAB] =	sst s4  }
0xd: {  	[smem:$0x3FAC] =	sst s5  }
0xe: {  	[smem:$0x3FAD] =	sst s6  }
0xf: {  	[smem:$0x3FAE] =	sst s7  }
0x10: {  	[smem:$0x3FAF] =	sst s8  }
0x11: {  	[smem:$0x3FB0] =	sst s9;
	s0 =	simm.s32 @!p0 $0x0  }
0x12: {  	s1 =	sld [smem:$0x3F96];
	s0 =	simm.s32 @p0 $0x1  }
0x13: {  	[smem:$0x3FB1] =	sst s0;
	s0 =	simm.s32 @!p1 $0x0  }
0x14: {  	s2 =	sld [smem:$0x3F95];
	s0 =	simm.s32 @p1 $0x1  }
0x15: {  	[smem:$0x3FB2] =	sst s0;
	s0 =	simm.s32 @!p2 $0x0  }
0x16: {  	s3 =	sld [smem:$0x3FDB];
	s0 =	simm.s32 @p2 $0x1  }
0x17: {  	s4 =	simm.s32 $0x1BF5;
	[smem:$0x3FB4] =	sst s0  }
0x18: {  	s0 =	sld [smem:$0x3F97];
	_ =	swait.ge [sflag:s4], $0x0  }
0x19: {  	s7 =	sld [smem:$0x3F98]  }
0x1a: {  	s8 =	sadd.s32 $0xFFFFE003, lr  }
0x1b: {  	s9 =	sadd.s32 $0xFFFFFEF7, lr;
	s5 =	simm.s32 $0xFFFFFFFF;
	p2 =	slt.u32 s8, $0xFFFFF086  }
0x1c: {  	p1 =	slt.u32 s9, $0xF7A;
	s5 =	simm.s32 @!p2 $0x0  }
0x1d: {  	s5 =	simm.s32 @p1 $0x1;
	p0 =	seq.s32 s7, s2  }
0x1e: {  	s7 =	smul.u32 @!p0 $0xF7A, s2;
	p2 =	seq.s32 @!p0 s5, $0x0  }
0x1f: {  	s9 =	smul.u32 $0xF7A, s1;
	s8 =	simm.s32 @!p0 $0x1BF5;
	p2 =	por !p2, p0  }
0x20: {  	[sflag:s8] =	ssyncset.s32 @!p0 $0xFFFFF086;
	s6 =	sadd.s32 @!p0 s3, s7;
	s7 =	simm.s32 @!p0 $0x108  }
0x21: {  	s3 =	sadd.s32 s3, s9;
	s6 =	sadd.s32 @!p0 $0x88, s6;
	s7 =	simm.s32 @p2 $0x1082  }
0x22: {  	[simem:s7], [sflag:s8] =	dma.local @!p0 [hbm:s6], $0xF7A  }
0x23: {  	s9 =	sor.u32 $0xD0000000, s2;
	s6 =	simm.s32 $0x108;
	_ =	swait.ge @!p0 [sflag:s8], $0x0  }
0x24: {  	s3 =	sadd.s32 $0x88, s3;
	s6 =	simm.s32 @!p1 $0x1082;
	[sflag:s4] =	ssyncset.s32 $0xFFFFF086  }
0x25: {  	[simem:s6], [sflag:s4] =	dma.local [hbm:s3], $0xF7A  }
0x26: {  	[smem:$0x3F98] =	sst s1;
	(tag) =	ssettag s2;
	_ =	strace s9  }
0x27: {  	s1 =	sld [smem:$0x3FA8]  }
0x28: {  	s2 =	sld [smem:$0x3FA9]  }
0x29: {  	s4 =	sld [smem:$0x3FAB]  }
0x2a: {  	p0 =	seq.s32 s5, $0x0;
	s5 =	sld [smem:$0x3FAC]  }
0x2b: {  	s6 =	sld [smem:$0x3FAD]  }
0x2c: {  	s7 =	sld [smem:$0x3FAE]  }
0x2d: {  	s3 =	simm.s32 $0x108;
	s8 =	sld [smem:$0x3FAF]  }
0x2e: {  	s3 =	simm.s32 @!p0 $0x1082;
	s9 =	sld [smem:$0x3FB0]  }
0x2f: {  	lr =	sadd.s32 s0, s3;
	s0 =	sld [smem:$0x3FA7]  }
0x30: {  	s3 =	sld [smem:$0x3FAA]  }
0x31: {  	[smem:$0x3FB3] =	sst s10  }
0x32: {  	s10 =	sld [smem:$0x3FB1];
	_ =	sdelay $0x3  }
0x33: {  	p0 =	seq.s32 s10, $0x1;
	s10 =	sld [smem:$0x3FB3];
	_ =	sdelay $0x3  }
0x34: {  	[smem:$0x3FB3] =	sst s10  }
0x35: {  	s10 =	sld [smem:$0x3FB2];
	_ =	sdelay $0x3  }
0x36: {  	p1 =	seq.s32 s10, $0x1;
	s10 =	sld [smem:$0x3FB3];
	_ =	sdelay $0x3  }
0x37: {  	[smem:$0x3FB3] =	sst s10  }
0x38: {  	s10 =	sld [smem:$0x3FB4]  }
0x39: {  	_ = 	snop;
	(pc) =	sbr.ind lr, $3  }
0x3a: {  	_ = 	snop  }
0x3b: {  	_ = 	snop  }
0x3c: {  	p2 =	seq.s32 s10, $0x1;
	s10 =	sld [smem:$0x3FB3]  }
0x3d: {  	_ =	shalt  }
0x3e: {  	_ =	shalt  }
0x3f: {  	_ =	shalt  }
0x40: {  	_ =	shalt  }
0x41: {  	_ =	shalt  }
0x42: {  	_ =	shalt  }
0x43: {  	_ =	shalt  }
0x44: {  	_ =	shalt  }
0x45: {  	_ =	shalt  }
0x46: {  	_ =	shalt  }
0x47: {  	_ =	shalt  }
0x48: {  	_ =	shalt  }
0x49: {  	_ =	shalt  }
0x4a: {  	_ =	shalt  }
0x4b: {  	_ =	shalt  }
0x4c: {  	_ =	shalt  }
0x4d: {  	_ =	shalt  }
0x4e: {  	_ =	shalt  }
0x4f: {  	_ =	shalt  }
0x50: {  	_ =	shalt  }
0x51: {  	_ =	shalt  }
0x52: {  	_ =	shalt  }
0x53: {  	_ =	shalt  }
0x54: {  	_ =	shalt  }
0x55: {  	_ =	shalt  }
0x56: {  	_ =	shalt  }
0x57: {  	_ =	shalt  }
0x58: {  	_ =	shalt  }
0x59: {  	_ =	shalt  }
0x5a: {  	_ =	shalt  }
0x5b: {  	_ =	shalt  }
0x5c: {  	_ =	shalt  }
0x5d: {  	_ =	shalt  }
0x5e: {  	_ =	shalt  }
0x5f: {  	_ =	shalt  }
0x60: {  	_ =	shalt  }
0x61: {  	_ =	shalt  }
0x62: {  	_ =	shalt  }
0x63: {  	_ =	shalt  }
0x64: {  	_ =	shalt  }
0x65: {  	_ =	shalt  }
0x66: {  	_ =	shalt  }
0x67: {  	_ =	shalt  }
0x68: {  	_ =	shalt  }
0x69: {  	_ =	shalt  }
0x6a: {  	_ =	shalt  }
0x6b: {  	_ =	shalt  }
0x6c: {  	_ =	shalt  }
0x6d: {  	_ =	shalt  }
0x6e: {  	_ =	shalt  }
0x6f: {  	_ =	shalt  }
0x70: {  	_ =	shalt  }
0x71: {  	_ =	shalt  }
0x72: {  	_ =	shalt  }
0x73: {  	_ =	shalt  }
0x74: {  	_ =	shalt  }
0x75: {  	_ =	shalt  }
0x76: {  	_ =	shalt  }
0x77: {  	_ =	shalt  }
0x78: {  	_ =	shalt  }
0x79: {  	_ =	shalt  }
0x7a: {  	_ =	shalt  }
0x7b: {  	_ =	shalt  }
0x7c: {  	_ =	shalt  }
0x7d: {  	_ =	shalt  }
0x7e: {  	_ =	shalt  }
0x7f: {  	_ =	shalt  }
0x80: {  	_ =	shalt  }
0x81: {  	_ =	shalt  }
0x82: {  	_ =	shalt  }
0x83: {  	_ =	shalt  }
0x84: {  	_ =	shalt  }
0x85: {  	_ =	shalt  }
0x86: {  	_ =	shalt  }
0x87: {  	_ =	shalt  }
.Lfunc_end0:
.L_simem_size_0:
called_computation_lowered:
.L_overlay_start_0:
0x88: {  	s0 =	sld [smem:$0x3FD9]  }
0x89: {  	s1 =	sld [smem:$0x3FFE];
	_ =	sdelay $0x3  }
0x8a: {  	s0 =	sadd.s32 s1, s0  }
0x8b: {  	[smem:$0x3FBF] =	sst s0  }
0x8c: {  	_ = 	snop  }
0x8d: {  	(tm) =	ssettm $0x1  }
0x8e: {  	s15 =	sld [smem:$0x3FFB];
	_ =	sdelay $0x3  }
0x8f: {  	_ =	strace s15  }
0x90: {  	s0 =	sld [smem:$0x3FFC];
	_ =	sdelay $0x3  }
0x91: {  	_ =	strace s0  }
0x92: {  	s0 =	sld [smem:$0x3FFD];
	_ =	sdelay $0x3  }
0x93: {  	_ =	strace s0  }
0x94: {  	_ =	strace $0x8FFFFFFF  }
0x95: {  	s16 =	sld [smem:$0x3FDB];
	_ =	sdelay $0x1  }
0x96: {  	s17 =	simm.s32 $_scs_section_size  }
0x97: {  	s2 =	simm.s32 $_size__tile_overlayer_lowered;
	s3 =	simm.s32 $_tile_overlayer_lowered  }
0x98: {  	s20 =	simm.s32 $0x1BFF;
	s19 =	sshll.u32 s3, $0x1;
	s0 =	sadd.s32 s17, s16  }
0x99: {  	s4 =	simm.s32 $0x0;
	s18 =	sshll.u32 s2, $0x1;
	s2 =	sadd.s32 s19, s0  }
0x9a: {  	[timem:s4], [sflag:s20] =	dma.local [hbm:s2], s18  }
0x9b: {  	_ =	swait.ge [sflag:s20], s18  }
0x9c: {  	s1 =	ssub.s32 $0x0, s18;
	[sflag:s20] =	ssyncset.done $0x0  }
0x9d: {  	[sflag:s20] =	ssyncadd.s32 s1;
	_ =	sdelay $0x1  }
0x9e: {  	s21 =	simm.s32 $0x1B8B  }
0x9f: {  	_ =	swait.ge [sflag:s21], $0x1  }
0xa0: {  	[sflag:s21] =	ssyncset.done $0x0  }
0xa1: {  	s23 =	simm.s32 $0x1B8E;
	s22 =	sld [smem:$0x3FFE];
	[sflag:s21] =	ssyncadd.s32 $0xFFFFFFFF  }
0xa2: {  	s24 =	simm.s32 $execute0_lowered;
	[smem:$0x3FD2] =	sst s23  }
0xa3: {  	s2 =	sshll.u32 s24, $0x1;
	_ =	strace $0x80000049;
	[dreg:$0x1] =	wrdreg $0xFFFFFFFF  }
0xa4: {  	s25 =	simm.s32 $_size_execute0_lowered;
	s0 =	sadd.s32 s0, s2;
	[dreg:$0x0] =	wrdreg $0x0  }
0xa5: {  	s2 =	sshll.u32 s25, $0x1;
	[dreg:$0x2] =	wrdreg s0  }
0xa6: {  	[dreg:$0x3] =	wrdreg s2  }
0xa7: {  	[dreg:$0x4] =	wrdreg $0xC0  }
0xa8: {  	_ =	task [dreg:s4], $0x5FFFF  }
0xa9: {  	[dreg:$0x1] =	wrdreg $0xFFFFFFFF  }
0xaa: {  	[dreg:$0x0] =	wrdreg $0x60  }
0xab: {  	[dreg:$0x2] =	wrdreg s22  }
0xac: {  	[dreg:$0x3] =	wrdreg $0x9  }
0xad: {  	_ =	task.clear_ibuf [dreg:s4], $0x4FFFF;
	_ =	strace $0x90000049  }
0xae: {  	s26 =	simm.s32 $0x9;
	_ =	strace $0x8000004B  }
0xaf: {  	_ =	swait.ge [sflag:s26], $0x1  }
0xb0: {  	[sflag:s26] =	ssyncadd.s32 $0xFFFFFFFF  }
0xb1: {  	_ =	strace $0x9000004B  }
0xb2: {  	_ =	sfence  }
0xb3: {  	s28 =	sld [smem:$0x0];
	_ =	sdelay $0x1  }
0xb4: {  	s29 =	srdreg.scid  }
0xb5: {  	s30 =	sshll.u32 s29, $0xD;
	s31 =	sshrl.u32 s29, $0x2  }
0xb6: {  	s1 =	sand.u32 $0x1, s29;
	s2 =	sand.u32 $0x4000, s30;
	s0 =	sadd.s32 s31, s28  }
0xb7: {  	s1 =	sor.u32 s2, s1;
	s0 =	sshll.u32 s0, $0x11  }
0xb8: {  	s0 =	sor.u32 s0, s1  }
0xb9: {  	s0 =	sadd.s32 $0x8F2B, s0  }
0xba: {  	[sflag:s0] =	ssyncadd.remote.s32 $0x1  }
0xbb: {  	_ =	sfence.sel $0xFFFF  }
0xbc: {  	[dreg:$0x0] =	wrdreg $0xFFFFFFFF;
	(pc) =	sbr.abs _section_cstart, $3  }
0xbd: {  	[dreg:$0x1] =	wrdreg $0xFFFFFFFF  }
0xbe: {  	_ =	task.clear_ibuf [dreg:s4], $0x2FFFF;
	_ =	strace $0x9FFFFFFF  }
0xbf: {  	(tm) =	ssettm $0x7FFFFFFF  }
tec
execute0_lowered:
.L_overlay_start_1:
0x0: {  	(tag) =	ssettag $0x1  }
0x1: {  	s5 =	rddreg [dreg:$0x0]  }
0x2: {  	s0 =	rddreg [dreg:$0x1];
	_ =	strace $0x8000004A;
	s6 =	stileid.u32  }
0x3: {  	s3 =	simm.s32 $0x3E;
	s1 =	sadd.s32 $0x28000, s5;
	p0 =	sne.s32 s6, $0x0  }
0x4: {  	[sflag:s3] =	ssyncpa.u1 $0x0;
	s4 =	simm.s32 @!p0 $0x1C3E;
	s2 =	simm.s32 @!p0 $0x0  }
0x5: {  	[spmem:s2], [sflag:s4] =	dma.local @!p0 [hbm:s1], $0x80  }
0x6: {  	s4 =	simm.s32 @!p0 $0x3E  }
0x7: {  	_ =	swait.ge @!p0 [sflag:s4], $0x80  }
0x8: {  	[sflag:s4] =	ssyncset.done @!p0 $0x0  }
0x9: {  	s9 =	simm.s32 $0x140;
	[sflag:s4] =	ssyncadd.s32 @!p0 $0xFFFFFF80  }
0xa: {  	s7 =	sadd.s32 $0x27E00, s5;
	s8 =	sadd.s32 $0x28200, s5;
	[bflag:$0x0] =	sbarrier.arrive $0xFFFF  }
0xb: {  	s6 =	sshll.u32 s6, $0x5;
	[sflag:s3] =	ssyncpa.u1 $0x1;
	s3 =	simm.s32 $0x1  }
0xc: {  	s5 =	simm.s32 $0x0;
	s4 =	simm.s32 $0x2;
	[sflag:s3] =	ssyncpa.u1 $0x0  }
0xd: {  	s7 =	sadd.s32 s7, s6;
	(ifvalue) =	ssetifvalue $0x400;
	[sflag:s4] =	ssyncpa.u1 $0x0  }
0xe: {  	[tilespmem:s9], [sflag:$0x2] =	stream.linear.gather [hbm4b:s7+s5], $0x100, $0x38;
	[tilespmem:$0x440] =	vst v63  }
0xf: {  	s23 =	simm.s32 $0x340;
	s6 =	sadd.s32 s8, s6  }
0x10: {  	[tilespmem:s23], [sflag:$0x2] =	stream.linear.gather [hbm4b:s6+s5], $0x100, $0x38;
	[tilespmem:$0x440] =	vst v63  }
0x11: {  	_ =	swait.ge [sflag:s4], $0x200  }
0x12: {  	[sflag:s4] =	ssyncset.done $0x0  }
0x13: {  	[sflag:s4] =	ssyncadd.s32 $0xFFFFFE00  }
0x14: {  	v0 =	vld.msk [tilespmem:s9+$0x0 ss:$0x1], $0xffff;
	_ =	sdelay $0x4  }
0x15: {  	v0 =	vmin.u32 v0, $0x400;
	_ =	sdelay $0x3  }
0x16: {  	vm0 =	vmmov $0xffff;
	s24 =	simm.s32 $0x150  }
0x17: {  	[spmem:s5] =	stream.indirect_vreg.scatter.add.s32 [tilespmem:s23], [sflag:$0x1], $0x1, v0, vm0, $0x4038;
	[tilespmem:$0x440] =	vst v63  }
0x18: {  	v0 =	vld.msk [tilespmem:s24+$0x0 ss:$0x1], $0xffff;
	_ =	sdelay $0x4  }
0x19: {  	v0 =	vmin.u32 v0, $0x400;
	_ =	sdelay $0x3  }
0x1a: {  	s25 =	simm.s32 $0x350;
	s26 =	simm.s32 $0x160  }
0x1b: {  	[spmem:s5] =	stream.indirect_vreg.scatter.add.s32 [tilespmem:s25], [sflag:$0x1], $0x1, v0, vm0, $0x4038;
	[tilespmem:$0x440] =	vst v63  }
0x1c: {  	v0 =	vld.msk [tilespmem:s26+$0x0 ss:$0x1], $0xffff;
	_ =	sdelay $0x4  }
0x1d: {  	v0 =	vmin.u32 v0, $0x400;
	_ =	sdelay $0x3  }
0x1e: {  	s28 =	simm.s32 $0x360;
	s29 =	simm.s32 $0x170  }
0x1f: {  	[spmem:s5] =	stream.indirect_vreg.scatter.add.s32 [tilespmem:s28], [sflag:$0x1], $0x1, v0, vm0, $0x4038;
	[tilespmem:$0x440] =	vst v63  }
0x20: {  	v0 =	vld.msk [tilespmem:s29+$0x0 ss:$0x1], $0xffff;
	_ =	sdelay $0x4  }
0x21: {  	v0 =	vmin.u32 v0, $0x400;
	_ =	sdelay $0x3  }
0x22: {  	s30 =	simm.s32 $0x370;
	s31 =	simm.s32 $0x180  }
0x23: {  	[spmem:s5] =	stream.indirect_vreg.scatter.add.s32 [tilespmem:s30], [sflag:$0x1], $0x1, v0, vm0, $0x4038;
	[tilespmem:$0x440] =	vst v63  }
0x24: {  	v0 =	vld.msk [tilespmem:s31+$0x0 ss:$0x1], $0xffff;
	_ =	sdelay $0x4  }
0x25: {  	v0 =	vmin.u32 v0, $0x400;
	_ =	sdelay $0x3  }
0x26: {  	s8 =	simm.s32 $0x190;
	s7 =	simm.s32 $0x380  }
0x27: {  	[spmem:s5] =	stream.indirect_vreg.scatter.add.s32 [tilespmem:s7], [sflag:$0x1], $0x1, v0, vm0, $0x4038;
	[tilespmem:$0x440] =	vst v63  }
0x28: {  	v0 =	vld.msk [tilespmem:s8+$0x0 ss:$0x1], $0xffff;
	_ =	sdelay $0x4  }
0x29: {  	v0 =	vmin.u32 v0, $0x400;
	_ =	sdelay $0x3  }
0x2a: {  	s10 =	simm.s32 $0x1A0;
	s9 =	simm.s32 $0x390  }
0x2b: {  	[spmem:s5] =	stream.indirect_vreg.scatter.add.s32 [tilespmem:s9], [sflag:$0x1], $0x1, v0, vm0, $0x4038;
	[tilespmem:$0x440] =	vst v63  }
0x2c: {  	v0 =	vld.msk [tilespmem:s10+$0x0 ss:$0x1], $0xffff;
	_ =	sdelay $0x4  }
0x2d: {  	v0 =	vmin.u32 v0, $0x400;
	_ =	sdelay $0x3  }
0x2e: {  	s11 =	simm.s32 $0x3A0;
	s12 =	simm.s32 $0x1B0  }
0x2f: {  	[spmem:s5] =	stream.indirect_vreg.scatter.add.s32 [tilespmem:s11], [sflag:$0x1], $0x1, v0, vm0, $0x4038;
	[tilespmem:$0x440] =	vst v63  }
0x30: {  	v0 =	vld.msk [tilespmem:s12+$0x0 ss:$0x1], $0xffff;
	_ =	sdelay $0x4  }
0x31: {  	v0 =	vmin.u32 v0, $0x400;
	_ =	sdelay $0x3  }
0x32: {  	s13 =	simm.s32 $0x3B0;
	s14 =	simm.s32 $0x1C0  }
0x33: {  	[spmem:s5] =	stream.indirect_vreg.scatter.add.s32 [tilespmem:s13], [sflag:$0x1], $0x1, v0, vm0, $0x4038;
	[tilespmem:$0x440] =	vst v63  }
0x34: {  	v0 =	vld.msk [tilespmem:s14+$0x0 ss:$0x1], $0xffff;
	_ =	sdelay $0x4  }
0x35: {  	v0 =	vmin.u32 v0, $0x400;
	_ =	sdelay $0x3  }
0x36: {  	s15 =	simm.s32 $0x3C0;
	s16 =	simm.s32 $0x1D0  }
0x37: {  	[spmem:s5] =	stream.indirect_vreg.scatter.add.s32 [tilespmem:s15], [sflag:$0x1], $0x1, v0, vm0, $0x4038;
	[tilespmem:$0x440] =	vst v63  }
0x38: {  	v0 =	vld.msk [tilespmem:s16+$0x0 ss:$0x1], $0xffff;
	_ =	sdelay $0x4  }
0x39: {  	v0 =	vmin.u32 v0, $0x400;
	_ =	sdelay $0x3  }
0x3a: {  	s17 =	simm.s32 $0x3D0;
	s18 =	simm.s32 $0x1E0  }
0x3b: {  	[spmem:s5] =	stream.indirect_vreg.scatter.add.s32 [tilespmem:s17], [sflag:$0x1], $0x1, v0, vm0, $0x4038;
	[tilespmem:$0x440] =	vst v63  }
0x3c: {  	v0 =	vld.msk [tilespmem:s18+$0x0 ss:$0x1], $0xffff;
	_ =	sdelay $0x4  }
0x3d: {  	v0 =	vmin.u32 v0, $0x400;
	_ =	sdelay $0x3  }
0x3e: {  	s19 =	simm.s32 $0x3E0;
	s20 =	simm.s32 $0x1F0  }
0x3f: {  	[spmem:s5] =	stream.indirect_vreg.scatter.add.s32 [tilespmem:s19], [sflag:$0x1], $0x1, v0, vm0, $0x4038;
	[tilespmem:$0x440] =	vst v63  }
0x40: {  	v0 =	vld.msk [tilespmem:s20+$0x0 ss:$0x1], $0xffff;
	_ =	sdelay $0x4  }
0x41: {  	v0 =	vmin.u32 v0, $0x400;
	_ =	sdelay $0x3  }
0x42: {  	s21 =	simm.s32 $0x3F0;
	s22 =	simm.s32 $0x200  }
0x43: {  	[spmem:s5] =	stream.indirect_vreg.scatter.add.s32 [tilespmem:s21], [sflag:$0x1], $0x1, v0, vm0, $0x4038;
	[tilespmem:$0x440] =	vst v63  }
0x44: {  	v0 =	vld.msk [tilespmem:s22+$0x0 ss:$0x1], $0xffff;
	_ =	sdelay $0x4  }
0x45: {  	v0 =	vmin.u32 v0, $0x400;
	_ =	sdelay $0x3  }
0x46: {  	s23 =	simm.s32 $0x400;
	s24 =	simm.s32 $0x210  }
0x47: {  	[spmem:s5] =	stream.indirect_vreg.scatter.add.s32 [tilespmem:s23], [sflag:$0x1], $0x1, v0, vm0, $0x4038;
	[tilespmem:$0x440] =	vst v63  }
0x48: {  	v0 =	vld.msk [tilespmem:s24+$0x0 ss:$0x1], $0xffff;
	_ =	sdelay $0x4  }
0x49: {  	v0 =	vmin.u32 v0, $0x400;
	_ =	sdelay $0x3  }
0x4a: {  	s25 =	simm.s32 $0x410;
	s26 =	simm.s32 $0x220  }
0x4b: {  	[spmem:s5] =	stream.indirect_vreg.scatter.add.s32 [tilespmem:s25], [sflag:$0x1], $0x1, v0, vm0, $0x4038;
	[tilespmem:$0x440] =	vst v63  }
0x4c: {  	v0 =	vld.msk [tilespmem:s26+$0x0 ss:$0x1], $0xffff;
	_ =	sdelay $0x4  }
0x4d: {  	v0 =	vmin.u32 v0, $0x400;
	_ =	sdelay $0x3  }
0x4e: {  	s28 =	simm.s32 $0x420;
	s29 =	simm.s32 $0x230  }
0x4f: {  	[spmem:s5] =	stream.indirect_vreg.scatter.add.s32 [tilespmem:s28], [sflag:$0x1], $0x1, v0, vm0, $0x4038;
	[tilespmem:$0x440] =	vst v63  }
0x50: {  	v0 =	vld.msk [tilespmem:s29+$0x0 ss:$0x1], $0xffff;
	_ =	sdelay $0x4  }
0x51: {  	v0 =	vmin.u32 v0, $0x400;
	_ =	sdelay $0x3  }
0x52: {  	s30 =	simm.s32 $0x430  }
0x53: {  	[spmem:s5] =	stream.indirect_vreg.scatter.add.s32 [tilespmem:s30], [sflag:$0x1], $0x1, v0, vm0, $0x4038;
	[tilespmem:$0x440] =	vst v63  }
0x54: {  	_ =	swait.ge [sflag:s3], $0x100  }
0x55: {  	[sflag:s3] =	ssyncset.done $0x0  }
0x56: {  	[sflag:s3] =	ssyncadd.s32 $0xFFFFFF00  }
0x57: {  	_ =	sfence.sel $0x180000  }
0x58: {  	[bflag:$0x0] =	sbarrier.arrive $0xFFFF  }
0x59: {  	[sflag:s4] =	ssyncpa.u1 $0x1  }
0x5a: {  	[sflag:s3] =	ssyncpa.u1 $0x1  }
0x5b: {  	_ =	sfence.stream.spmem  }
0x5c: {  	s31 =	simm.s32 $0x3D;
	[bflag:$0x0] =	sbarrier.arrive $0xFFFF  }
0x5d: {  	s3 =	simm.s32 @p0 $0x3D;
	[sflag:s31] =	ssyncpa.u1 $0x0  }
0x5e: {  	[sflag:s3] =	ssyncpa.u1 @p0 $0x1  }
0x5f: {  	[bflag:$0x0] =	sbarrier.arrive @p0 $0xFFFF  }
0x60: {  	_ =	strace @p0 $0x9000004A  }
0x61: {  	s3 =	simm.s32 @!p0 $0x1C3D;
	[bflag:$0x2] =	sbarrier.arrive @p0 $0xFFFF  }
0x62: {  	[hbm:s1], [sflag:s3] =	dma.local @!p0 [spmem:s2], $0x80  }
0x63: {  	s1 =	simm.s32 @!p0 $0x3D  }
0x64: {  	_ =	swait.ge @!p0 [sflag:s1], $0x80  }
0x65: {  	[sflag:s1] =	ssyncset.done @!p0 $0x0  }
0x66: {  	[sflag:s1] =	ssyncadd.s32 @!p0 $0xFFFFFF80  }
0x67: {  	[sflag:s1] =	ssyncpa.u1 @!p0 $0x1  }
0x68: {  	[bflag:$0x0] =	sbarrier.arrive @!p0 $0xFFFF  }
0x69: {  	_ =	strace @!p0 $0x9000004A  }
0x6a: {  	s0 =	sadd.s32 @!p0 $0x100000, s0;
	[bflag:$0x2] =	sbarrier.arrive @!p0 $0xFFFF  }
0x6b: {  	[sflag:s0] =	ssyncadd.tile.s32 @!p0 $0x1;
	_ =	shalt  }
.Lfunc_end2:
_tile_overlayer_lowered:
.L_overlay_start_2:
0x6c: {  	(tag) =	ssettag $0x2  }
0x6d: {  	s0 =	rddreg [dreg:$0x0];
	s2 =	stileid.u32  }
0x6e: {  	s1 =	rddreg [dreg:$0x1];
	p0 =	sne.s32 s2, $0x0  }
0x6f: {  	s3 =	rddreg [dreg:$0x2];
	[bflag:$0x3] =	sbarrier.arrive $0xFFFF;
	s2 =	simm.s32 @!p0 $0x1C01  }
0x70: {  	[timem:s3], [sflag:s2] =	dma.local @!p0 [hbm:s0], s1  }
0x71: {  	s0 =	simm.s32 @!p0 $0x1  }
0x72: {  	_ =	swait.ge @!p0 [sflag:s0], s1  }
0x73: {  	s1 =	ssub.s32 @!p0 $0x0, s1;
	[sflag:s0] =	ssyncset.done @!p0 $0x0  }
0x74: {  	[sflag:s0] =	ssyncadd.s32 @!p0 s1  }
0x75: {  	[bflag:$0x3] =	sbarrier.arrive $0xFFFF  }
0x76: {  	_ =	shalt  }

</sc_bundles>
